<compile_context>
chip_gen: v7x
topology: tpu7x:2x2x1
jax: 0.10.2.dev20260603
libtpu: 0.0.44.dev20260713+nightly
codegen_flags: <defaults>
</compile_context>

<pallas_src>
import functools

import jax
import jax.numpy as jnp
from jax import lax
from jax.experimental import pallas as pl
from jax.experimental.pallas import tpu as pltpu
from jax.experimental.pallas import tpu_sc as plsc

B = 1024
L = 50
D = 512
T = L + 2

_INFO = plsc.get_sparse_core_info()
_NC = _INFO.num_cores
_NS = _INFO.num_subcores
_NW = _NS
_BPW = B // _NW


def _gather_body(gidx_hbm, didx_hbm, wg_hbm, wd_hbm, eg_hbm, ed_hbm,
                 gidx_v, didx_v, rows_g, rows_d, sem_g, sem_d):
    wid = lax.axis_index("s")
    base = wid * _BPW

    pltpu.sync_copy(gidx_hbm.at[pl.ds(base, _BPW)], gidx_v)
    pltpu.sync_copy(didx_hbm.at[pl.ds(base, _BPW)], didx_v)

    cp_g = pltpu.async_copy(wg_hbm.at[gidx_v], rows_g, sem_g)
    cp_d = pltpu.async_copy(wd_hbm.at[didx_v], rows_d, sem_d)
    cp_g.wait()
    cp_d.wait()
    wr_g = pltpu.async_copy(rows_g, eg_hbm.at[pl.ds(base, _BPW)], sem_g)
    wr_d = pltpu.async_copy(rows_d, ed_hbm.at[pl.ds(base, _BPW)], sem_d)
    wr_g.wait()
    wr_d.wait()


_BB = 32
_NST = B // _BB
_CB = 3


def _assemble_body(f_hbm, eg_hbm, ed_hbm, out_hbm,
                   fbuf, gbuf, dbuf, obuf, sem_f, sem_g, sem_d, sem_o):
    def in_cps(i, k):
        row = i * _BB
        return (
            pltpu.make_async_copy(f_hbm.at[pl.ds(row, _BB)], fbuf.at[k],
                                  sem_f.at[k]),
            pltpu.make_async_copy(eg_hbm.at[pl.ds(row, _BB)], gbuf.at[k],
                                  sem_g.at[k]),
            pltpu.make_async_copy(ed_hbm.at[pl.ds(row, _BB)], dbuf.at[k],
                                  sem_d.at[k]),
        )

    def out_cp(i, k):
        return pltpu.make_async_copy(obuf.at[k], out_hbm.at[pl.ds(i * _BB, _BB)],
                                     sem_o.at[k])

    for k in range(_CB):
        for cp in in_cps(k, k):
            cp.start()

    def step(i, _):
        k = lax.rem(i, _CB)
        for cp in in_cps(i, k):
            cp.wait()

        @pl.when(i >= _CB)
        def _():
            out_cp(i - _CB, k).wait()

        obuf[k, :, 0, :] = gbuf[k]
        obuf[k, :, 1, :] = dbuf[k]
        obuf[k, :, 2:, :] = fbuf[k]
        out_cp(i, k).start()

        @pl.when(i + _CB < _NST)
        def _():
            for cp in in_cps(i + _CB, k):
                cp.start()
        return 0

    lax.fori_loop(0, _NST, step, 0)
    for j in range(_NST - _CB, _NST):
        out_cp(j, j % _CB).wait()


@jax.jit
def _run(feature, genre_index, difficulty_index, W_genre, W_difficulty):
    mesh = plsc.VectorSubcoreMesh(core_axis_name="c", subcore_axis_name="s", num_cores=1)
    gather = pl.kernel(
        _gather_body,
        out_type=(jax.ShapeDtypeStruct((B, D), jnp.float32),
                  jax.ShapeDtypeStruct((B, D), jnp.float32)),
        mesh=mesh,
        scratch_types=[
            pltpu.VMEM((_BPW,), jnp.int32),
            pltpu.VMEM((_BPW,), jnp.int32),
            pltpu.VMEM((_BPW, D), jnp.float32),
            pltpu.VMEM((_BPW, D), jnp.float32),
            pltpu.SemaphoreType.DMA,
            pltpu.SemaphoreType.DMA,
        ],
    )
    eg, ed = gather(genre_index, difficulty_index, W_genre, W_difficulty)

    assemble = pl.pallas_call(
        _assemble_body,
        in_specs=[
            pl.BlockSpec(memory_space=pl.ANY),
            pl.BlockSpec(memory_space=pl.ANY),
            pl.BlockSpec(memory_space=pl.ANY),
        ],
        out_specs=pl.BlockSpec(memory_space=pl.ANY),
        out_shape=jax.ShapeDtypeStruct((B, T, D), jnp.float32),
        scratch_shapes=[
            pltpu.VMEM((_CB, _BB, L, D), jnp.float32),
            pltpu.VMEM((_CB, _BB, D), jnp.float32),
            pltpu.VMEM((_CB, _BB, D), jnp.float32),
            pltpu.VMEM((_CB, _BB, T, D), jnp.float32),
            pltpu.SemaphoreType.DMA((_CB,)),
            pltpu.SemaphoreType.DMA((_CB,)),
            pltpu.SemaphoreType.DMA((_CB,)),
            pltpu.SemaphoreType.DMA((_CB,)),
        ],
    )
    return assemble(feature, eg, ed)


def kernel(feature, genre_index, difficulty_index, W_genre, W_difficulty):
    gidx = genre_index.reshape(B).astype(jnp.int32)
    didx = difficulty_index.reshape(B).astype(jnp.int32)
    return _run(feature, gidx, didx, W_genre, W_difficulty)

# --- scband reference (transcript-rebuilt; emitter-appended) ---
"""Pipeline reference for scband-mel-conditioner-16475494547593 (READ-ONLY COPY).

The authoritative reference and input builder live on the scoring server;
editing this copy changes nothing except your own understanding.
"""

import jax, jax.numpy as jnp
import numpy as np


def setup_inputs(seed: int = 0) -> dict:
    key = jax.random.key(seed)
    k1, k2, k3, k4, k5 = jax.random.split(key, 5)
    feature = jax.random.normal(k1, (1024, 50, 512), dtype=jnp.float32)
    genre_index = jax.random.randint(k2, (1024, 1), 0, 1000, dtype=jnp.int64 if jax.config.jax_enable_x64 else jnp.int32)
    difficulty_index = jax.random.randint(k3, (1024, 1), 0, 10, dtype=jnp.int64 if jax.config.jax_enable_x64 else jnp.int32)
    W_genre = jax.random.normal(k4, (1000, 512), dtype=jnp.float32)
    W_difficulty = jax.random.normal(k5, (10, 512), dtype=jnp.float32)
    return {"feature": feature, "genre_index": genre_index, "difficulty_index": difficulty_index, "W_genre": W_genre, "W_difficulty": W_difficulty}


def reference(feature, genre_index, difficulty_index, W_genre, W_difficulty):
    # nn.Embedding lookup: index shape (B, 1) -> (B, 1, n_dim)
    embedding_genre = jnp.take(W_genre, genre_index, axis=0)
    embedding_difficulty = jnp.take(W_difficulty, difficulty_index, axis=0)
    # torch.cat([...], dim=1) -> (B, 1 + 1 + L, n_dim)
    return jnp.concatenate([embedding_genre, embedding_difficulty, feature], axis=1)

if __name__ == "__main__":
    import jax
    _d = setup_inputs()
    print(jax.jit(kernel)(*tuple(_d.values())))

</pallas_src>

<mosaic_0001>
#map = affine_map<(d0, d1) -> (0)>
#map1 = affine_map<(d0, d1) -> (0, 0)>
module attributes {stable_mosaic.version = 14 : i64} {
  func.func @_gather_body(%arg0: i32, %arg1: i32, %arg2: memref<1024xi32, #tpu.memory_space<hbm>>, %arg3: memref<1024xi32, #tpu.memory_space<hbm>>, %arg4: memref<1000x512xf32, #tpu.memory_space<hbm>>, %arg5: memref<10x512xf32, #tpu.memory_space<hbm>>, %arg6: memref<1024x512xf32, #tpu.memory_space<hbm>>, %arg7: memref<1024x512xf32, #tpu.memory_space<hbm>>, %arg8: memref<64xi32, #tpu.memory_space<vmem>>, %arg9: memref<64xi32, #tpu.memory_space<vmem>>, %arg10: memref<64x512xf32, #tpu.memory_space<vmem>>, %arg11: memref<64x512xf32, #tpu.memory_space<vmem>>, %arg12: memref<!tpu.dma_semaphore, #tpu.memory_space<semaphore_mem>>, %arg13: memref<!tpu.dma_semaphore, #tpu.memory_space<semaphore_mem>>) attributes {dimension_semantics = [#tpu.dimension_semantics<core_parallel>, #tpu.dimension_semantics<subcore_parallel>], iteration_bounds = array<i64: 1, 16>, scalar_prefetch = 0 : i64, scratch_operands = 6 : i64, tpu.core_type = #tpu.core_type<sc_vector_subcore>, window_params = [{transform_indices = #map}, {transform_indices = #map}, {transform_indices = #map1}, {transform_indices = #map1}, {transform_indices = #map1}, {transform_indices = #map1}]} {
    %mul3A = arith.constant 64 : i32
    %mul3A_0 = arith.muli %arg1, %mul3A : i32
    "tpu.region"() ({
      %run_scoped3A = tpu.sem_alloc : memref<!tpu.dma_semaphore, #tpu.memory_space<semaphore_mem>>
      %dma_start3A_27 = tpu.memref_slice %arg2[%mul3A_0] : memref<1024xi32, #tpu.memory_space<hbm>> -> memref<64xi32, #tpu.memory_space<hbm>>
      %dma_start3A_28 = tpu.memref_slice %arg2[%mul3A_0] : memref<1024xi32, #tpu.memory_space<hbm>> -> memref<64xi32, #tpu.memory_space<hbm>>
      tpu.enqueue_dma source(%dma_start3A_28 : memref<64xi32, #tpu.memory_space<hbm>>) target(%arg8 : memref<64xi32, #tpu.memory_space<vmem>>) target_semaphore(%run_scoped3A : memref<!tpu.dma_semaphore, #tpu.memory_space<semaphore_mem>>)
      %dma_wait3A_29 = tpu.memref_slice %arg2[%mul3A_0] : memref<1024xi32, #tpu.memory_space<hbm>> -> memref<64xi32, #tpu.memory_space<hbm>>
      %dma_wait3A_30 = tpu.memref_slice %arg2[%mul3A_0] : memref<1024xi32, #tpu.memory_space<hbm>> -> memref<64xi32, #tpu.memory_space<hbm>>
      tpu.wait_dma2 semaphore(%run_scoped3A : memref<!tpu.dma_semaphore, #tpu.memory_space<semaphore_mem>>) src(%dma_wait3A_30 : memref<64xi32, #tpu.memory_space<hbm>>) dst(%arg8 : memref<64xi32, #tpu.memory_space<vmem>>)
      tpu.yield
    }) : () -> ()
    "tpu.region"() ({
      %run_scoped3A = tpu.sem_alloc : memref<!tpu.dma_semaphore, #tpu.memory_space<semaphore_mem>>
      %dma_start3A_27 = tpu.memref_slice %arg3[%mul3A_0] : memref<1024xi32, #tpu.memory_space<hbm>> -> memref<64xi32, #tpu.memory_space<hbm>>
      %dma_start3A_28 = tpu.memref_slice %arg3[%mul3A_0] : memref<1024xi32, #tpu.memory_space<hbm>> -> memref<64xi32, #tpu.memory_space<hbm>>
      tpu.enqueue_dma source(%dma_start3A_28 : memref<64xi32, #tpu.memory_space<hbm>>) target(%arg9 : memref<64xi32, #tpu.memory_space<vmem>>) target_semaphore(%run_scoped3A : memref<!tpu.dma_semaphore, #tpu.memory_space<semaphore_mem>>)
      %dma_wait3A_29 = tpu.memref_slice %arg3[%mul3A_0] : memref<1024xi32, #tpu.memory_space<hbm>> -> memref<64xi32, #tpu.memory_space<hbm>>
      %dma_wait3A_30 = tpu.memref_slice %arg3[%mul3A_0] : memref<1024xi32, #tpu.memory_space<hbm>> -> memref<64xi32, #tpu.memory_space<hbm>>
      tpu.wait_dma2 semaphore(%run_scoped3A : memref<!tpu.dma_semaphore, #tpu.memory_space<semaphore_mem>>) src(%dma_wait3A_30 : memref<64xi32, #tpu.memory_space<hbm>>) dst(%arg9 : memref<64xi32, #tpu.memory_space<vmem>>)
      tpu.yield
    }) : () -> ()
    %dma_start3A = arith.constant 0 : i32
    %dma_start3A_1 = arith.constant 0 : i32
    %dma_start3A_2 = tpu.memref_slice %arg4[%dma_start3A, %dma_start3A_1] : memref<1000x512xf32, #tpu.memory_space<hbm>> -> memref<1000x512xf32, #tpu.memory_space<hbm>>
    tpu.enqueue_indirect_dma source(%dma_start3A_2 : memref<1000x512xf32, #tpu.memory_space<hbm>>) target(%arg10 : memref<64x512xf32, #tpu.memory_space<vmem>>) offsets(%arg8 : memref<64xi32, #tpu.memory_space<vmem>>) semaphore(%arg12 : memref<!tpu.dma_semaphore, #tpu.memory_space<semaphore_mem>>)
    %dma_start3A_3 = arith.constant 0 : i32
    %dma_start3A_4 = arith.constant 0 : i32
    %dma_start3A_5 = tpu.memref_slice %arg5[%dma_start3A_3, %dma_start3A_4] : memref<10x512xf32, #tpu.memory_space<hbm>> -> memref<10x512xf32, #tpu.memory_space<hbm>>
    tpu.enqueue_indirect_dma source(%dma_start3A_5 : memref<10x512xf32, #tpu.memory_space<hbm>>) target(%arg11 : memref<64x512xf32, #tpu.memory_space<vmem>>) offsets(%arg9 : memref<64xi32, #tpu.memory_space<vmem>>) semaphore(%arg13 : memref<!tpu.dma_semaphore, #tpu.memory_space<semaphore_mem>>)
    %dma_wait3A = arith.constant 0 : i32
    %dma_wait3A_6 = arith.constant 0 : i32
    %dma_wait3A_7 = tpu.memref_slice %arg4[%dma_wait3A, %dma_wait3A_6] : memref<1000x512xf32, #tpu.memory_space<hbm>> -> memref<1000x512xf32, #tpu.memory_space<hbm>>
    tpu.wait_indirect_dma semaphore(%arg12 : memref<!tpu.dma_semaphore, #tpu.memory_space<semaphore_mem>>) src(%dma_wait3A_7 : memref<1000x512xf32, #tpu.memory_space<hbm>>) dst(%arg10 : memref<64x512xf32, #tpu.memory_space<vmem>>)
    %dma_wait3A_8 = arith.constant 0 : i32
    %dma_wait3A_9 = arith.constant 0 : i32
    %dma_wait3A_10 = tpu.memref_slice %arg5[%dma_wait3A_8, %dma_wait3A_9] : memref<10x512xf32, #tpu.memory_space<hbm>> -> memref<10x512xf32, #tpu.memory_space<hbm>>
    tpu.wait_indirect_dma semaphore(%arg13 : memref<!tpu.dma_semaphore, #tpu.memory_space<semaphore_mem>>) src(%dma_wait3A_10 : memref<10x512xf32, #tpu.memory_space<hbm>>) dst(%arg11 : memref<64x512xf32, #tpu.memory_space<vmem>>)
    %dma_start3A_11 = arith.constant 0 : i32
    %dma_start3A_12 = tpu.memref_slice %arg6[%mul3A_0, %dma_start3A_11] : memref<1024x512xf32, #tpu.memory_space<hbm>> -> memref<64x512xf32, #tpu.memory_space<hbm>>
    %dma_start3A_13 = arith.constant 0 : i32
    %dma_start3A_14 = tpu.memref_slice %arg6[%mul3A_0, %dma_start3A_13] : memref<1024x512xf32, #tpu.memory_space<hbm>> -> memref<64x512xf32, #tpu.memory_space<hbm>>
    tpu.enqueue_dma source(%arg10 : memref<64x512xf32, #tpu.memory_space<vmem>>) target(%dma_start3A_14 : memref<64x512xf32, #tpu.memory_space<hbm>>) target_semaphore(%arg12 : memref<!tpu.dma_semaphore, #tpu.memory_space<semaphore_mem>>)
    %dma_start3A_15 = arith.constant 0 : i32
    %dma_start3A_16 = tpu.memref_slice %arg7[%mul3A_0, %dma_start3A_15] : memref<1024x512xf32, #tpu.memory_space<hbm>> -> memref<64x512xf32, #tpu.memory_space<hbm>>
    %dma_start3A_17 = arith.constant 0 : i32
    %dma_start3A_18 = tpu.memref_slice %arg7[%mul3A_0, %dma_start3A_17] : memref<1024x512xf32, #tpu.memory_space<hbm>> -> memref<64x512xf32, #tpu.memory_space<hbm>>
    tpu.enqueue_dma source(%arg11 : memref<64x512xf32, #tpu.memory_space<vmem>>) target(%dma_start3A_18 : memref<64x512xf32, #tpu.memory_space<hbm>>) target_semaphore(%arg13 : memref<!tpu.dma_semaphore, #tpu.memory_space<semaphore_mem>>)
    %dma_wait3A_19 = arith.constant 0 : i32
    %dma_wait3A_20 = tpu.memref_slice %arg6[%mul3A_0, %dma_wait3A_19] : memref<1024x512xf32, #tpu.memory_space<hbm>> -> memref<64x512xf32, #tpu.memory_space<hbm>>
    %dma_wait3A_21 = arith.constant 0 : i32
    %dma_wait3A_22 = tpu.memref_slice %arg6[%mul3A_0, %dma_wait3A_21] : memref<1024x512xf32, #tpu.memory_space<hbm>> -> memref<64x512xf32, #tpu.memory_space<hbm>>
    tpu.wait_dma2 semaphore(%arg12 : memref<!tpu.dma_semaphore, #tpu.memory_space<semaphore_mem>>) src(%arg10 : memref<64x512xf32, #tpu.memory_space<vmem>>) dst(%dma_wait3A_22 : memref<64x512xf32, #tpu.memory_space<hbm>>)
    %dma_wait3A_23 = arith.constant 0 : i32
    %dma_wait3A_24 = tpu.memref_slice %arg7[%mul3A_0, %dma_wait3A_23] : memref<1024x512xf32, #tpu.memory_space<hbm>> -> memref<64x512xf32, #tpu.memory_space<hbm>>
    %dma_wait3A_25 = arith.constant 0 : i32
    %dma_wait3A_26 = tpu.memref_slice %arg7[%mul3A_0, %dma_wait3A_25] : memref<1024x512xf32, #tpu.memory_space<hbm>> -> memref<64x512xf32, #tpu.memory_space<hbm>>
    tpu.wait_dma2 semaphore(%arg13 : memref<!tpu.dma_semaphore, #tpu.memory_space<semaphore_mem>>) src(%arg11 : memref<64x512xf32, #tpu.memory_space<vmem>>) dst(%dma_wait3A_26 : memref<64x512xf32, #tpu.memory_space<hbm>>)
    return
  }
}

module attributes {stable_mosaic.version = 14 : i64} {
  func.func @_assemble_body(%arg0: memref<1024x50x512xf32, #tpu.memory_space<any>>, %arg1: memref<1024x512xf32, #tpu.memory_space<any>>, %arg2: memref<1024x512xf32, #tpu.memory_space<any>>, %arg3: memref<1024x52x512xf32, #tpu.memory_space<any>>, %arg4: memref<3x32x50x512xf32, #tpu.memory_space<vmem>>, %arg5: memref<3x32x512xf32, #tpu.memory_space<vmem>>, %arg6: memref<3x32x512xf32, #tpu.memory_space<vmem>>, %arg7: memref<3x32x52x512xf32, #tpu.memory_space<vmem>>, %arg8: memref<3x!tpu.dma_semaphore, #tpu.memory_space<semaphore_mem>>, %arg9: memref<3x!tpu.dma_semaphore, #tpu.memory_space<semaphore_mem>>, %arg10: memref<3x!tpu.dma_semaphore, #tpu.memory_space<semaphore_mem>>, %arg11: memref<3x!tpu.dma_semaphore, #tpu.memory_space<semaphore_mem>>) attributes {dimension_semantics = [], scalar_prefetch = 0 : i64, scratch_operands = 8 : i64, tpu.core_type = #tpu.core_type<tc>} {
    %dma_start3A = arith.constant 0 : i32
    %dma_start3A_0 = arith.constant 0 : i32
    %dma_start3A_1 = tpu.memref_slice %arg8[%dma_start3A_0] : memref<3x!tpu.dma_semaphore, #tpu.memory_space<semaphore_mem>> -> memref<1x!tpu.dma_semaphore, #tpu.memory_space<semaphore_mem>>
    %dma_start3A_2 = tpu.memref_squeeze %dma_start3A_1 : memref<1x!tpu.dma_semaphore, #tpu.memory_space<semaphore_mem>> -> memref<!tpu.dma_semaphore, #tpu.memory_space<semaphore_mem>>
    %dma_start3A_3 = arith.constant 0 : i32
    %dma_start3A_4 = arith.constant 0 : i32
    %dma_start3A_5 = arith.constant 0 : i32
    %dma_start3A_6 = tpu.memref_slice %arg4[%dma_start3A, %dma_start3A_3, %dma_start3A_4, %dma_start3A_5] : memref<3x32x50x512xf32, #tpu.memory_space<vmem>> -> memref<1x32x50x512xf32, #tpu.memory_space<vmem>>
    %dma_start3A_7 = tpu.memref_squeeze %dma_start3A_6 : memref<1x32x50x512xf32, #tpu.memory_space<vmem>> -> memref<32x50x512xf32, #tpu.memory_space<vmem>>
    %dma_start3A_8 = arith.constant 0 : i32
    %dma_start3A_9 = arith.constant 0 : i32
    %dma_start3A_10 = arith.constant 0 : i32
    %dma_start3A_11 = tpu.memref_slice %arg0[%dma_start3A_8, %dma_start3A_9, %dma_start3A_10] : memref<1024x50x512xf32, #tpu.memory_space<any>> -> memref<32x50x512xf32, #tpu.memory_space<any>>
    tpu.enqueue_dma source(%dma_start3A_11 : memref<32x50x512xf32, #tpu.memory_space<any>>) target(%dma_start3A_7 : memref<32x50x512xf32, #tpu.memory_space<vmem>>) target_semaphore(%dma_start3A_2 : memref<!tpu.dma_semaphore, #tpu.memory_space<semaphore_mem>>)
    %dma_start3A_12 = arith.constant 0 : i32
    %dma_start3A_13 = arith.constant 0 : i32
    %dma_start3A_14 = tpu.memref_slice %arg9[%dma_start3A_13] : memref<3x!tpu.dma_semaphore, #tpu.memory_space<semaphore_mem>> -> memref<1x!tpu.dma_semaphore, #tpu.memory_space<semaphore_mem>>
    %dma_start3A_15 = tpu.memref_squeeze %dma_start3A_14 : memref<1x!tpu.dma_semaphore, #tpu.memory_space<semaphore_mem>> -> memref<!tpu.dma_semaphore, #tpu.memory_space<semaphore_mem>>
    %dma_start3A_16 = arith.constant 0 : i32
    %dma_start3A_17 = arith.constant 0 : i32
    %dma_start3A_18 = tpu.memref_slice %arg5[%dma_start3A_12, %dma_start3A_16, %dma_start3A_17] : memref<3x32x512xf32, #tpu.memory_space<vmem>> -> memref<1x32x512xf32, #tpu.memory_space<vmem>>
    %dma_start3A_19 = tpu.memref_squeeze %dma_start3A_18 : memref<1x32x512xf32, #tpu.memory_space<vmem>> -> memref<32x512xf32, #tpu.memory_space<vmem>>
    %dma_start3A_20 = arith.constant 0 : i32
    %dma_start3A_21 = arith.constant 0 : i32
    %dma_start3A_22 = tpu.memref_slice %arg1[%dma_start3A_20, %dma_start3A_21] : memref<1024x512xf32, #tpu.memory_space<any>> -> memref<32x512xf32, #tpu.memory_space<any>>
    tpu.enqueue_dma source(%dma_start3A_22 : memref<32x512xf32, #tpu.memory_space<any>>) target(%dma_start3A_19 : memref<32x512xf32, #tpu.memory_space<vmem>>) target_semaphore(%dma_start3A_15 : memref<!tpu.dma_semaphore, #tpu.memory_space<semaphore_mem>>)
    %dma_start3A_23 = arith.constant 0 : i32
    %dma_start3A_24 = arith.constant 0 : i32
    %dma_start3A_25 = tpu.memref_slice %arg10[%dma_start3A_24] : memref<3x!tpu.dma_semaphore, #tpu.memory_space<semaphore_mem>> -> memref<1x!tpu.dma_semaphore, #tpu.memory_space<semaphore_mem>>
    %dma_start3A_26 = tpu.memref_squeeze %dma_start3A_25 : memref<1x!tpu.dma_semaphore, #tpu.memory_space<semaphore_mem>> -> memref<!tpu.dma_semaphore, #tpu.memory_space<semaphore_mem>>
    %dma_start3A_27 = arith.constant 0 : i32
    %dma_start3A_28 = arith.constant 0 : i32
    %dma_start3A_29 = tpu.memref_slice %arg6[%dma_start3A_23, %dma_start3A_27, %dma_start3A_28] : memref<3x32x512xf32, #tpu.memory_space<vmem>> -> memref<1x32x512xf32, #tpu.memory_space<vmem>>
    %dma_start3A_30 = tpu.memref_squeeze %dma_start3A_29 : memref<1x32x512xf32, #tpu.memory_space<vmem>> -> memref<32x512xf32, #tpu.memory_space<vmem>>
    %dma_start3A_31 = arith.constant 0 : i32
    %dma_start3A_32 = arith.constant 0 : i32
    %dma_start3A_33 = tpu.memref_slice %arg2[%dma_start3A_31, %dma_start3A_32] : memref<1024x512xf32, #tpu.memory_space<any>> -> memref<32x512xf32, #tpu.memory_space<any>>
    tpu.enqueue_dma source(%dma_start3A_33 : memref<32x512xf32, #tpu.memory_space<any>>) target(%dma_start3A_30 : memref<32x512xf32, #tpu.memory_space<vmem>>) target_semaphore(%dma_start3A_26 : memref<!tpu.dma_semaphore, #tpu.memory_space<semaphore_mem>>)
    %dma_start3A_34 = arith.constant 1 : i32
    %dma_start3A_35 = arith.constant 1 : i32
    %dma_start3A_36 = tpu.memref_slice %arg8[%dma_start3A_35] : memref<3x!tpu.dma_semaphore, #tpu.memory_space<semaphore_mem>> -> memref<1x!tpu.dma_semaphore, #tpu.memory_space<semaphore_mem>>
    %dma_start3A_37 = tpu.memref_squeeze %dma_start3A_36 : memref<1x!tpu.dma_semaphore, #tpu.memory_space<semaphore_mem>> -> memref<!tpu.dma_semaphore, #tpu.memory_space<semaphore_mem>>
    %dma_start3A_38 = arith.constant 0 : i32
    %dma_start3A_39 = arith.constant 0 : i32
    %dma_start3A_40 = arith.constant 0 : i32
    %dma_start3A_41 = tpu.memref_slice %arg4[%dma_start3A_34, %dma_start3A_38, %dma_start3A_39, %dma_start3A_40] : memref<3x32x50x512xf32, #tpu.memory_space<vmem>> -> memref<1x32x50x512xf32, #tpu.memory_space<vmem>>
    %dma_start3A_42 = tpu.memref_squeeze %dma_start3A_41 : memref<1x32x50x512xf32, #tpu.memory_space<vmem>> -> memref<32x50x512xf32, #tpu.memory_space<vmem>>
    %dma_start3A_43 = arith.constant 32 : i32
    %dma_start3A_44 = arith.constant 0 : i32
    %dma_start3A_45 = arith.constant 0 : i32
    %dma_start3A_46 = tpu.memref_slice %arg0[%dma_start3A_43, %dma_start3A_44, %dma_start3A_45] : memref<1024x50x512xf32, #tpu.memory_space<any>> -> memref<32x50x512xf32, #tpu.memory_space<any>>
    tpu.enqueue_dma source(%dma_start3A_46 : memref<32x50x512xf32, #tpu.memory_space<any>>) target(%dma_start3A_42 : memref<32x50x512xf32, #tpu.memory_space<vmem>>) target_semaphore(%dma_start3A_37 : memref<!tpu.dma_semaphore, #tpu.memory_space<semaphore_mem>>)
    %dma_start3A_47 = arith.constant 1 : i32
    %dma_start3A_48 = arith.constant 1 : i32
    %dma_start3A_49 = tpu.memref_slice %arg9[%dma_start3A_48] : memref<3x!tpu.dma_semaphore, #tpu.memory_space<semaphore_mem>> -> memref<1x!tpu.dma_semaphore, #tpu.memory_space<semaphore_mem>>
    %dma_start3A_50 = tpu.memref_squeeze %dma_start3A_49 : memref<1x!tpu.dma_semaphore, #tpu.memory_space<semaphore_mem>> -> memref<!tpu.dma_semaphore, #tpu.memory_space<semaphore_mem>>
    %dma_start3A_51 = arith.constant 0 : i32
    %dma_start3A_52 = arith.constant 0 : i32
    %dma_start3A_53 = tpu.memref_slice %arg5[%dma_start3A_47, %dma_start3A_51, %dma_start3A_52] : memref<3x32x512xf32, #tpu.memory_space<vmem>> -> memref<1x32x512xf32, #tpu.memory_space<vmem>>
    %dma_start3A_54 = tpu.memref_squeeze %dma_start3A_53 : memref<1x32x512xf32, #tpu.memory_space<vmem>> -> memref<32x512xf32, #tpu.memory_space<vmem>>
    %dma_start3A_55 = arith.constant 32 : i32
    %dma_start3A_56 = arith.constant 0 : i32
    %dma_start3A_57 = tpu.memref_slice %arg1[%dma_start3A_55, %dma_start3A_56] : memref<1024x512xf32, #tpu.memory_space<any>> -> memref<32x512xf32, #tpu.memory_space<any>>
    tpu.enqueue_dma source(%dma_start3A_57 : memref<32x512xf32, #tpu.memory_space<any>>) target(%dma_start3A_54 : memref<32x512xf32, #tpu.memory_space<vmem>>) target_semaphore(%dma_start3A_50 : memref<!tpu.dma_semaphore, #tpu.memory_space<semaphore_mem>>)
    %dma_start3A_58 = arith.constant 1 : i32
    %dma_start3A_59 = arith.constant 1 : i32
    %dma_start3A_60 = tpu.memref_slice %arg10[%dma_start3A_59] : memref<3x!tpu.dma_semaphore, #tpu.memory_space<semaphore_mem>> -> memref<1x!tpu.dma_semaphore, #tpu.memory_space<semaphore_mem>>
    %dma_start3A_61 = tpu.memref_squeeze %dma_start3A_60 : memref<1x!tpu.dma_semaphore, #tpu.memory_space<semaphore_mem>> -> memref<!tpu.dma_semaphore, #tpu.memory_space<semaphore_mem>>
    %dma_start3A_62 = arith.constant 0 : i32
    %dma_start3A_63 = arith.constant 0 : i32
    %dma_start3A_64 = tpu.memref_slice %arg6[%dma_start3A_58, %dma_start3A_62, %dma_start3A_63] : memref<3x32x512xf32, #tpu.memory_space<vmem>> -> memref<1x32x512xf32, #tpu.memory_space<vmem>>
    %dma_start3A_65 = tpu.memref_squeeze %dma_start3A_64 : memref<1x32x512xf32, #tpu.memory_space<vmem>> -> memref<32x512xf32, #tpu.memory_space<vmem>>
    %dma_start3A_66 = arith.constant 32 : i32
    %dma_start3A_67 = arith.constant 0 : i32
    %dma_start3A_68 = tpu.memref_slice %arg2[%dma_start3A_66, %dma_start3A_67] : memref<1024x512xf32, #tpu.memory_space<any>> -> memref<32x512xf32, #tpu.memory_space<any>>
    tpu.enqueue_dma source(%dma_start3A_68 : memref<32x512xf32, #tpu.memory_space<any>>) target(%dma_start3A_65 : memref<32x512xf32, #tpu.memory_space<vmem>>) target_semaphore(%dma_start3A_61 : memref<!tpu.dma_semaphore, #tpu.memory_space<semaphore_mem>>)
    %dma_start3A_69 = arith.constant 2 : i32
    %dma_start3A_70 = arith.constant 2 : i32
    %dma_start3A_71 = tpu.memref_slice %arg8[%dma_start3A_70] : memref<3x!tpu.dma_semaphore, #tpu.memory_space<semaphore_mem>> -> memref<1x!tpu.dma_semaphore, #tpu.memory_space<semaphore_mem>>
    %dma_start3A_72 = tpu.memref_squeeze %dma_start3A_71 : memref<1x!tpu.dma_semaphore, #tpu.memory_space<semaphore_mem>> -> memref<!tpu.dma_semaphore, #tpu.memory_space<semaphore_mem>>
    %dma_start3A_73 = arith.constant 0 : i32
    %dma_start3A_74 = arith.constant 0 : i32
    %dma_start3A_75 = arith.constant 0 : i32
    %dma_start3A_76 = tpu.memref_slice %arg4[%dma_start3A_69, %dma_start3A_73, %dma_start3A_74, %dma_start3A_75] : memref<3x32x50x512xf32, #tpu.memory_space<vmem>> -> memref<1x32x50x512xf32, #tpu.memory_space<vmem>>
    %dma_start3A_77 = tpu.memref_squeeze %dma_start3A_76 : memref<1x32x50x512xf32, #tpu.memory_space<vmem>> -> memref<32x50x512xf32, #tpu.memory_space<vmem>>
    %dma_start3A_78 = arith.constant 64 : i32
    %dma_start3A_79 = arith.constant 0 : i32
    %dma_start3A_80 = arith.constant 0 : i32
    %dma_start3A_81 = tpu.memref_slice %arg0[%dma_start3A_78, %dma_start3A_79, %dma_start3A_80] : memref<1024x50x512xf32, #tpu.memory_space<any>> -> memref<32x50x512xf32, #tpu.memory_space<any>>
    tpu.enqueue_dma source(%dma_start3A_81 : memref<32x50x512xf32, #tpu.memory_space<any>>) target(%dma_start3A_77 : memref<32x50x512xf32, #tpu.memory_space<vmem>>) target_semaphore(%dma_start3A_72 : memref<!tpu.dma_semaphore, #tpu.memory_space<semaphore_mem>>)
    %dma_start3A_82 = arith.constant 2 : i32
    %dma_start3A_83 = arith.constant 2 : i32
    %dma_start3A_84 = tpu.memref_slice %arg9[%dma_start3A_83] : memref<3x!tpu.dma_semaphore, #tpu.memory_space<semaphore_mem>> -> memref<1x!tpu.dma_semaphore, #tpu.memory_space<semaphore_mem>>
    %dma_start3A_85 = tpu.memref_squeeze %dma_start3A_84 : memref<1x!tpu.dma_semaphore, #tpu.memory_space<semaphore_mem>> -> memref<!tpu.dma_semaphore, #tpu.memory_space<semaphore_mem>>
    %dma_start3A_86 = arith.constant 0 : i32
    %dma_start3A_87 = arith.constant 0 : i32
    %dma_start3A_88 = tpu.memref_slice %arg5[%dma_start3A_82, %dma_start3A_86, %dma_start3A_87] : memref<3x32x512xf32, #tpu.memory_space<vmem>> -> memref<1x32x512xf32, #tpu.memory_space<vmem>>
    %dma_start3A_89 = tpu.memref_squeeze %dma_start3A_88 : memref<1x32x512xf32, #tpu.memory_space<vmem>> -> memref<32x512xf32, #tpu.memory_space<vmem>>
    %dma_start3A_90 = arith.constant 64 : i32
    %dma_start3A_91 = arith.constant 0 : i32
    %dma_start3A_92 = tpu.memref_slice %arg1[%dma_start3A_90, %dma_start3A_91] : memref<1024x512xf32, #tpu.memory_space<any>> -> memref<32x512xf32, #tpu.memory_space<any>>
    tpu.enqueue_dma source(%dma_start3A_92 : memref<32x512xf32, #tpu.memory_space<any>>) target(%dma_start3A_89 : memref<32x512xf32, #tpu.memory_space<vmem>>) target_semaphore(%dma_start3A_85 : memref<!tpu.dma_semaphore, #tpu.memory_space<semaphore_mem>>)
    %dma_start3A_93 = arith.constant 2 : i32
    %dma_start3A_94 = arith.constant 2 : i32
    %dma_start3A_95 = tpu.memref_slice %arg10[%dma_start3A_94] : memref<3x!tpu.dma_semaphore, #tpu.memory_space<semaphore_mem>> -> memref<1x!tpu.dma_semaphore, #tpu.memory_space<semaphore_mem>>
    %dma_start3A_96 = tpu.memref_squeeze %dma_start3A_95 : memref<1x!tpu.dma_semaphore, #tpu.memory_space<semaphore_mem>> -> memref<!tpu.dma_semaphore, #tpu.memory_space<semaphore_mem>>
    %dma_start3A_97 = arith.constant 0 : i32
    %dma_start3A_98 = arith.constant 0 : i32
    %dma_start3A_99 = tpu.memref_slice %arg6[%dma_start3A_93, %dma_start3A_97, %dma_start3A_98] : memref<3x32x512xf32, #tpu.memory_space<vmem>> -> memref<1x32x512xf32, #tpu.memory_space<vmem>>
    %dma_start3A_100 = tpu.memref_squeeze %dma_start3A_99 : memref<1x32x512xf32, #tpu.memory_space<vmem>> -> memref<32x512xf32, #tpu.memory_space<vmem>>
    %dma_start3A_101 = arith.constant 64 : i32
    %dma_start3A_102 = arith.constant 0 : i32
    %dma_start3A_103 = tpu.memref_slice %arg2[%dma_start3A_101, %dma_start3A_102] : memref<1024x512xf32, #tpu.memory_space<any>> -> memref<32x512xf32, #tpu.memory_space<any>>
    tpu.enqueue_dma source(%dma_start3A_103 : memref<32x512xf32, #tpu.memory_space<any>>) target(%dma_start3A_100 : memref<32x512xf32, #tpu.memory_space<vmem>>) target_semaphore(%dma_start3A_96 : memref<!tpu.dma_semaphore, #tpu.memory_space<semaphore_mem>>)
    %scan3A = arith.constant 0 : i32
    %scan3A_104 = arith.constant 32 : i32
    %scan3A_105 = arith.addi %scan3A, %scan3A_104 : i32
    %scan3A_106 = arith.constant 1 : i32
    scf.for %scan3A_146 = %scan3A to %scan3A_105 step %scan3A_106  : i32 {
      %rem3A = arith.constant 3 : i32
      %rem3A_147 = arith.remsi %scan3A_146, %rem3A : i32
      %mul3A = arith.constant 32 : i32
      %mul3A_148 = arith.muli %scan3A_146, %mul3A : i32
      %dma_wait3A_149 = tpu.memref_slice %arg8[%rem3A_147] : memref<3x!tpu.dma_semaphore, #tpu.memory_space<semaphore_mem>> -> memref<1x!tpu.dma_semaphore, #tpu.memory_space<semaphore_mem>>
      %dma_wait3A_150 = tpu.memref_squeeze %dma_wait3A_149 : memref<1x!tpu.dma_semaphore, #tpu.memory_space<semaphore_mem>> -> memref<!tpu.dma_semaphore, #tpu.memory_space<semaphore_mem>>
      %dma_wait3A_151 = arith.constant 0 : i32
      %dma_wait3A_152 = arith.constant 0 : i32
      %dma_wait3A_153 = arith.constant 0 : i32
      %dma_wait3A_154 = tpu.memref_slice %arg4[%rem3A_147, %dma_wait3A_151, %dma_wait3A_152, %dma_wait3A_153] : memref<3x32x50x512xf32, #tpu.memory_space<vmem>> -> memref<1x32x50x512xf32, #tpu.memory_space<vmem>>
      %dma_wait3A_155 = tpu.memref_squeeze %dma_wait3A_154 : memref<1x32x50x512xf32, #tpu.memory_space<vmem>> -> memref<32x50x512xf32, #tpu.memory_space<vmem>>
      %dma_wait3A_156 = arith.constant 0 : i32
      %dma_wait3A_157 = arith.constant 0 : i32
      %dma_wait3A_158 = tpu.memref_slice %arg0[%mul3A_148, %dma_wait3A_156, %dma_wait3A_157] : memref<1024x50x512xf32, #tpu.memory_space<any>> -> memref<32x50x512xf32, #tpu.memory_space<any>>
      tpu.wait_dma2 semaphore(%dma_wait3A_150 : memref<!tpu.dma_semaphore, #tpu.memory_space<semaphore_mem>>) src(%dma_wait3A_158 : memref<32x50x512xf32, #tpu.memory_space<any>>) dst(%dma_wait3A_155 : memref<32x50x512xf32, #tpu.memory_space<vmem>>)
      %dma_wait3A_159 = tpu.memref_slice %arg9[%rem3A_147] : memref<3x!tpu.dma_semaphore, #tpu.memory_space<semaphore_mem>> -> memref<1x!tpu.dma_semaphore, #tpu.memory_space<semaphore_mem>>
      %dma_wait3A_160 = tpu.memref_squeeze %dma_wait3A_159 : memref<1x!tpu.dma_semaphore, #tpu.memory_space<semaphore_mem>> -> memref<!tpu.dma_semaphore, #tpu.memory_space<semaphore_mem>>
      %dma_wait3A_161 = arith.constant 0 : i32
      %dma_wait3A_162 = arith.constant 0 : i32
      %dma_wait3A_163 = tpu.memref_slice %arg5[%rem3A_147, %dma_wait3A_161, %dma_wait3A_162] : memref<3x32x512xf32, #tpu.memory_space<vmem>> -> memref<1x32x512xf32, #tpu.memory_space<vmem>>
      %dma_wait3A_164 = tpu.memref_squeeze %dma_wait3A_163 : memref<1x32x512xf32, #tpu.memory_space<vmem>> -> memref<32x512xf32, #tpu.memory_space<vmem>>
      %dma_wait3A_165 = arith.constant 0 : i32
      %dma_wait3A_166 = tpu.memref_slice %arg1[%mul3A_148, %dma_wait3A_165] : memref<1024x512xf32, #tpu.memory_space<any>> -> memref<32x512xf32, #tpu.memory_space<any>>
      tpu.wait_dma2 semaphore(%dma_wait3A_160 : memref<!tpu.dma_semaphore, #tpu.memory_space<semaphore_mem>>) src(%dma_wait3A_166 : memref<32x512xf32, #tpu.memory_space<any>>) dst(%dma_wait3A_164 : memref<32x512xf32, #tpu.memory_space<vmem>>)
      %dma_wait3A_167 = tpu.memref_slice %arg10[%rem3A_147] : memref<3x!tpu.dma_semaphore, #tpu.memory_space<semaphore_mem>> -> memref<1x!tpu.dma_semaphore, #tpu.memory_space<semaphore_mem>>
      %dma_wait3A_168 = tpu.memref_squeeze %dma_wait3A_167 : memref<1x!tpu.dma_semaphore, #tpu.memory_space<semaphore_mem>> -> memref<!tpu.dma_semaphore, #tpu.memory_space<semaphore_mem>>
      %dma_wait3A_169 = arith.constant 0 : i32
      %dma_wait3A_170 = arith.constant 0 : i32
      %dma_wait3A_171 = tpu.memref_slice %arg6[%rem3A_147, %dma_wait3A_169, %dma_wait3A_170] : memref<3x32x512xf32, #tpu.memory_space<vmem>> -> memref<1x32x512xf32, #tpu.memory_space<vmem>>
      %dma_wait3A_172 = tpu.memref_squeeze %dma_wait3A_171 : memref<1x32x512xf32, #tpu.memory_space<vmem>> -> memref<32x512xf32, #tpu.memory_space<vmem>>
      %dma_wait3A_173 = arith.constant 0 : i32
      %dma_wait3A_174 = tpu.memref_slice %arg2[%mul3A_148, %dma_wait3A_173] : memref<1024x512xf32, #tpu.memory_space<any>> -> memref<32x512xf32, #tpu.memory_space<any>>
      tpu.wait_dma2 semaphore(%dma_wait3A_168 : memref<!tpu.dma_semaphore, #tpu.memory_space<semaphore_mem>>) src(%dma_wait3A_174 : memref<32x512xf32, #tpu.memory_space<any>>) dst(%dma_wait3A_172 : memref<32x512xf32, #tpu.memory_space<vmem>>)
      %ge3A = arith.constant 3 : i32
      %ge3A_175 = arith.cmpi sge, %scan3A_146, %ge3A : i32
      %convert_element_type3A = arith.extui %ge3A_175 : i1 to i32
      %cond3A = arith.constant 0 : i32
      %cond3A_176 = arith.cmpi ne, %convert_element_type3A, %cond3A : i32
      scf.if %cond3A_176 {
        %sub3A = arith.constant 3 : i32
        %sub3A_229 = arith.subi %scan3A_146, %sub3A : i32
        %mul3A_230 = arith.constant 32 : i32
        %mul3A_231 = arith.muli %sub3A_229, %mul3A_230 : i32
        %dma_wait3A_232 = tpu.memref_slice %arg11[%rem3A_147] : memref<3x!tpu.dma_semaphore, #tpu.memory_space<semaphore_mem>> -> memref<1x!tpu.dma_semaphore, #tpu.memory_space<semaphore_mem>>
        %dma_wait3A_233 = tpu.memref_squeeze %dma_wait3A_232 : memref<1x!tpu.dma_semaphore, #tpu.memory_space<semaphore_mem>> -> memref<!tpu.dma_semaphore, #tpu.memory_space<semaphore_mem>>
        %dma_wait3A_234 = arith.constant 0 : i32
        %dma_wait3A_235 = arith.constant 0 : i32
        %dma_wait3A_236 = tpu.memref_slice %arg3[%mul3A_231, %dma_wait3A_234, %dma_wait3A_235] : memref<1024x52x512xf32, #tpu.memory_space<any>> -> memref<32x52x512xf32, #tpu.memory_space<any>>
        %dma_wait3A_237 = arith.constant 0 : i32
        %dma_wait3A_238 = arith.constant 0 : i32
        %dma_wait3A_239 = arith.constant 0 : i32
        %dma_wait3A_240 = tpu.memref_slice %arg7[%rem3A_147, %dma_wait3A_237, %dma_wait3A_238, %dma_wait3A_239] : memref<3x32x52x512xf32, #tpu.memory_space<vmem>> -> memref<1x32x52x512xf32, #tpu.memory_space<vmem>>
        %dma_wait3A_241 = tpu.memref_squeeze %dma_wait3A_240 : memref<1x32x52x512xf32, #tpu.memory_space<vmem>> -> memref<32x52x512xf32, #tpu.memory_space<vmem>>
        tpu.wait_dma2 semaphore(%dma_wait3A_233 : memref<!tpu.dma_semaphore, #tpu.memory_space<semaphore_mem>>) src(%dma_wait3A_241 : memref<32x52x512xf32, #tpu.memory_space<vmem>>) dst(%dma_wait3A_236 : memref<32x52x512xf32, #tpu.memory_space<any>>)
      } else {
      }
      %get3A = arith.index_cast %rem3A_147 : i32 to index
      %get3A_177 = arith.constant 0 : index
      %get3A_178 = arith.constant 0 : index
      %get3A_179 = vector.load %arg5[%get3A, %get3A_177, %get3A_178] : memref<3x32x512xf32, #tpu.memory_space<vmem>>, vector<1x32x512xf32>
      %get3A_180 = vector.shape_cast %get3A_179 : vector<1x32x512xf32> to vector<32x512xf32>
      %swap3A = arith.index_cast %rem3A_147 : i32 to index
      %swap3A_181 = arith.constant 0 : index
      %swap3A_182 = arith.constant 0 : index
      %swap3A_183 = arith.constant 0 : index
      %swap3A_184 = vector.load %arg7[%swap3A, %swap3A_181, %swap3A_182, %swap3A_183] : memref<3x32x52x512xf32, #tpu.memory_space<vmem>>, vector<1x32x1x512xf32>
      %swap3A_185 = vector.shape_cast %swap3A_184 : vector<1x32x1x512xf32> to vector<32x512xf32>
      %swap3A_186 = vector.shape_cast %get3A_180 : vector<32x512xf32> to vector<1x32x1x512xf32>
      tpu.vector_store %arg7[%swap3A, %swap3A_181, %swap3A_182, %swap3A_183], %swap3A_186 {strides = array<i32>} : memref<3x32x52x512xf32, #tpu.memory_space<vmem>>, vector<1x32x1x512xf32>,
      %get3A_187 = arith.index_cast %rem3A_147 : i32 to index
      %get3A_188 = arith.constant 0 : index
      %get3A_189 = arith.constant 0 : index
      %get3A_190 = vector.load %arg6[%get3A_187, %get3A_188, %get3A_189] : memref<3x32x512xf32, #tpu.memory_space<vmem>>, vector<1x32x512xf32>
      %get3A_191 = vector.shape_cast %get3A_190 : vector<1x32x512xf32> to vector<32x512xf32>
      %swap3A_192 = arith.index_cast %rem3A_147 : i32 to index
      %swap3A_193 = arith.constant 0 : index
      %swap3A_194 = arith.constant 1 : index
      %swap3A_195 = arith.constant 0 : index
      %swap3A_196 = vector.load %arg7[%swap3A_192, %swap3A_193, %swap3A_194, %swap3A_195] : memref<3x32x52x512xf32, #tpu.memory_space<vmem>>, vector<1x32x1x512xf32>
      %swap3A_197 = vector.shape_cast %swap3A_196 : vector<1x32x1x512xf32> to vector<32x512xf32>
      %swap3A_198 = vector.shape_cast %get3A_191 : vector<32x512xf32> to vector<1x32x1x512xf32>
      tpu.vector_store %arg7[%swap3A_192, %swap3A_193, %swap3A_194, %swap3A_195], %swap3A_198 {strides = array<i32>} : memref<3x32x52x512xf32, #tpu.memory_space<vmem>>, vector<1x32x1x512xf32>,
      %get3A_199 = arith.index_cast %rem3A_147 : i32 to index
      %get3A_200 = arith.constant 0 : index
      %get3A_201 = arith.constant 0 : index
      %get3A_202 = arith.constant 0 : index
      %get3A_203 = vector.load %arg4[%get3A_199, %get3A_200, %get3A_201, %get3A_202] : memref<3x32x50x512xf32, #tpu.memory_space<vmem>>, vector<1x32x50x512xf32>
      %get3A_204 = vector.shape_cast %get3A_203 : vector<1x32x50x512xf32> to vector<32x50x512xf32>
      %swap3A_205 = arith.index_cast %rem3A_147 : i32 to index
      %swap3A_206 = arith.constant 0 : index
      %swap3A_207 = arith.constant 2 : index
      %swap3A_208 = arith.constant 0 : index
      %swap3A_209 = vector.load %arg7[%swap3A_205, %swap3A_206, %swap3A_207, %swap3A_208] : memref<3x32x52x512xf32, #tpu.memory_space<vmem>>, vector<1x32x50x512xf32>
      %swap3A_210 = vector.shape_cast %swap3A_209 : vector<1x32x50x512xf32> to vector<32x50x512xf32>
      %swap3A_211 = vector.shape_cast %get3A_204 : vector<32x50x512xf32> to vector<1x32x50x512xf32>
      tpu.vector_store %arg7[%swap3A_205, %swap3A_206, %swap3A_207, %swap3A_208], %swap3A_211 {strides = array<i32>} : memref<3x32x52x512xf32, #tpu.memory_space<vmem>>, vector<1x32x50x512xf32>,
      %mul3A_212 = arith.constant 32 : i32
      %mul3A_213 = arith.muli %scan3A_146, %mul3A_212 : i32
      %dma_start3A_214 = tpu.memref_slice %arg11[%rem3A_147] : memref<3x!tpu.dma_semaphore, #tpu.memory_space<semaphore_mem>> -> memref<1x!tpu.dma_semaphore, #tpu.memory_space<semaphore_mem>>
      %dma_start3A_215 = tpu.memref_squeeze %dma_start3A_214 : memref<1x!tpu.dma_semaphore, #tpu.memory_space<semaphore_mem>> -> memref<!tpu.dma_semaphore, #tpu.memory_space<semaphore_mem>>
      %dma_start3A_216 = arith.constant 0 : i32
      %dma_start3A_217 = arith.constant 0 : i32
      %dma_start3A_218 = tpu.memref_slice %arg3[%mul3A_213, %dma_start3A_216, %dma_start3A_217] : memref<1024x52x512xf32, #tpu.memory_space<any>> -> memref<32x52x512xf32, #tpu.memory_space<any>>
      %dma_start3A_219 = arith.constant 0 : i32
      %dma_start3A_220 = arith.constant 0 : i32
      %dma_start3A_221 = arith.constant 0 : i32
      %dma_start3A_222 = tpu.memref_slice %arg7[%rem3A_147, %dma_start3A_219, %dma_start3A_220, %dma_start3A_221] : memref<3x32x52x512xf32, #tpu.memory_space<vmem>> -> memref<1x32x52x512xf32, #tpu.memory_space<vmem>>
      %dma_start3A_223 = tpu.memref_squeeze %dma_start3A_222 : memref<1x32x52x512xf32, #tpu.memory_space<vmem>> -> memref<32x52x512xf32, #tpu.memory_space<vmem>>
      tpu.enqueue_dma source(%dma_start3A_223 : memref<32x52x512xf32, #tpu.memory_space<vmem>>) target(%dma_start3A_218 : memref<32x52x512xf32, #tpu.memory_space<any>>) target_semaphore(%dma_start3A_215 : memref<!tpu.dma_semaphore, #tpu.memory_space<semaphore_mem>>)
      %add3A = arith.constant 3 : i32
      %add3A_224 = arith.addi %scan3A_146, %add3A : i32
      %lt3A = arith.constant 32 : i32
      %lt3A_225 = arith.cmpi slt, %add3A_224, %lt3A : i32
      %convert_element_type3A_226 = arith.extui %lt3A_225 : i1 to i32
      %cond3A_227 = arith.constant 0 : i32
      %cond3A_228 = arith.cmpi ne, %convert_element_type3A_226, %cond3A_227 : i32
      scf.if %cond3A_228 {
        %add3A_229 = arith.constant 3 : i32
        %add3A_230 = arith.addi %scan3A_146, %add3A_229 : i32
        %mul3A_231 = arith.constant 32 : i32
        %mul3A_232 = arith.muli %add3A_230, %mul3A_231 : i32
        %dma_start3A_233 = tpu.memref_slice %arg8[%rem3A_147] : memref<3x!tpu.dma_semaphore, #tpu.memory_space<semaphore_mem>> -> memref<1x!tpu.dma_semaphore, #tpu.memory_space<semaphore_mem>>
        %dma_start3A_234 = tpu.memref_squeeze %dma_start3A_233 : memref<1x!tpu.dma_semaphore, #tpu.memory_space<semaphore_mem>> -> memref<!tpu.dma_semaphore, #tpu.memory_space<semaphore_mem>>
        %dma_start3A_235 = arith.constant 0 : i32
        %dma_start3A_236 = arith.constant 0 : i32
        %dma_start3A_237 = arith.constant 0 : i32
        %dma_start3A_238 = tpu.memref_slice %arg4[%rem3A_147, %dma_start3A_235, %dma_start3A_236, %dma_start3A_237] : memref<3x32x50x512xf32, #tpu.memory_space<vmem>> -> memref<1x32x50x512xf32, #tpu.memory_space<vmem>>
        %dma_start3A_239 = tpu.memref_squeeze %dma_start3A_238 : memref<1x32x50x512xf32, #tpu.memory_space<vmem>> -> memref<32x50x512xf32, #tpu.memory_space<vmem>>
        %dma_start3A_240 = arith.constant 0 : i32
        %dma_start3A_241 = arith.constant 0 : i32
        %dma_start3A_242 = tpu.memref_slice %arg0[%mul3A_232, %dma_start3A_240, %dma_start3A_241] : memref<1024x50x512xf32, #tpu.memory_space<any>> -> memref<32x50x512xf32, #tpu.memory_space<any>>
        tpu.enqueue_dma source(%dma_start3A_242 : memref<32x50x512xf32, #tpu.memory_space<any>>) target(%dma_start3A_239 : memref<32x50x512xf32, #tpu.memory_space<vmem>>) target_semaphore(%dma_start3A_234 : memref<!tpu.dma_semaphore, #tpu.memory_space<semaphore_mem>>)
        %dma_start3A_243 = tpu.memref_slice %arg9[%rem3A_147] : memref<3x!tpu.dma_semaphore, #tpu.memory_space<semaphore_mem>> -> memref<1x!tpu.dma_semaphore, #tpu.memory_space<semaphore_mem>>
        %dma_start3A_244 = tpu.memref_squeeze %dma_start3A_243 : memref<1x!tpu.dma_semaphore, #tpu.memory_space<semaphore_mem>> -> memref<!tpu.dma_semaphore, #tpu.memory_space<semaphore_mem>>
        %dma_start3A_245 = arith.constant 0 : i32
        %dma_start3A_246 = arith.constant 0 : i32
        %dma_start3A_247 = tpu.memref_slice %arg5[%rem3A_147, %dma_start3A_245, %dma_start3A_246] : memref<3x32x512xf32, #tpu.memory_space<vmem>> -> memref<1x32x512xf32, #tpu.memory_space<vmem>>
        %dma_start3A_248 = tpu.memref_squeeze %dma_start3A_247 : memref<1x32x512xf32, #tpu.memory_space<vmem>> -> memref<32x512xf32, #tpu.memory_space<vmem>>
        %dma_start3A_249 = arith.constant 0 : i32
        %dma_start3A_250 = tpu.memref_slice %arg1[%mul3A_232, %dma_start3A_249] : memref<1024x512xf32, #tpu.memory_space<any>> -> memref<32x512xf32, #tpu.memory_space<any>>
        tpu.enqueue_dma source(%dma_start3A_250 : memref<32x512xf32, #tpu.memory_space<any>>) target(%dma_start3A_248 : memref<32x512xf32, #tpu.memory_space<vmem>>) target_semaphore(%dma_start3A_244 : memref<!tpu.dma_semaphore, #tpu.memory_space<semaphore_mem>>)
        %dma_start3A_251 = tpu.memref_slice %arg10[%rem3A_147] : memref<3x!tpu.dma_semaphore, #tpu.memory_space<semaphore_mem>> -> memref<1x!tpu.dma_semaphore, #tpu.memory_space<semaphore_mem>>
        %dma_start3A_252 = tpu.memref_squeeze %dma_start3A_251 : memref<1x!tpu.dma_semaphore, #tpu.memory_space<semaphore_mem>> -> memref<!tpu.dma_semaphore, #tpu.memory_space<semaphore_mem>>
        %dma_start3A_253 = arith.constant 0 : i32
        %dma_start3A_254 = arith.constant 0 : i32
        %dma_start3A_255 = tpu.memref_slice %arg6[%rem3A_147, %dma_start3A_253, %dma_start3A_254] : memref<3x32x512xf32, #tpu.memory_space<vmem>> -> memref<1x32x512xf32, #tpu.memory_space<vmem>>
        %dma_start3A_256 = tpu.memref_squeeze %dma_start3A_255 : memref<1x32x512xf32, #tpu.memory_space<vmem>> -> memref<32x512xf32, #tpu.memory_space<vmem>>
        %dma_start3A_257 = arith.constant 0 : i32
        %dma_start3A_258 = tpu.memref_slice %arg2[%mul3A_232, %dma_start3A_257] : memref<1024x512xf32, #tpu.memory_space<any>> -> memref<32x512xf32, #tpu.memory_space<any>>
        tpu.enqueue_dma source(%dma_start3A_258 : memref<32x512xf32, #tpu.memory_space<any>>) target(%dma_start3A_256 : memref<32x512xf32, #tpu.memory_space<vmem>>) target_semaphore(%dma_start3A_252 : memref<!tpu.dma_semaphore, #tpu.memory_space<semaphore_mem>>)
      } else {
      }
    }
    %scan3A_107 = arith.constant 32 : i32
    %dma_wait3A = arith.constant 2 : i32
    %dma_wait3A_108 = arith.constant 2 : i32
    %dma_wait3A_109 = tpu.memref_slice %arg11[%dma_wait3A_108] : memref<3x!tpu.dma_semaphore, #tpu.memory_space<semaphore_mem>> -> memref<1x!tpu.dma_semaphore, #tpu.memory_space<semaphore_mem>>
    %dma_wait3A_110 = tpu.memref_squeeze %dma_wait3A_109 : memref<1x!tpu.dma_semaphore, #tpu.memory_space<semaphore_mem>> -> memref<!tpu.dma_semaphore, #tpu.memory_space<semaphore_mem>>
    %dma_wait3A_111 = arith.constant 928 : i32
    %dma_wait3A_112 = arith.constant 0 : i32
    %dma_wait3A_113 = arith.constant 0 : i32
    %dma_wait3A_114 = tpu.memref_slice %arg3[%dma_wait3A_111, %dma_wait3A_112, %dma_wait3A_113] : memref<1024x52x512xf32, #tpu.memory_space<any>> -> memref<32x52x512xf32, #tpu.memory_space<any>>
    %dma_wait3A_115 = arith.constant 0 : i32
    %dma_wait3A_116 = arith.constant 0 : i32
    %dma_wait3A_117 = arith.constant 0 : i32
    %dma_wait3A_118 = tpu.memref_slice %arg7[%dma_wait3A, %dma_wait3A_115, %dma_wait3A_116, %dma_wait3A_117] : memref<3x32x52x512xf32, #tpu.memory_space<vmem>> -> memref<1x32x52x512xf32, #tpu.memory_space<vmem>>
    %dma_wait3A_119 = tpu.memref_squeeze %dma_wait3A_118 : memref<1x32x52x512xf32, #tpu.memory_space<vmem>> -> memref<32x52x512xf32, #tpu.memory_space<vmem>>
    tpu.wait_dma2 semaphore(%dma_wait3A_110 : memref<!tpu.dma_semaphore, #tpu.memory_space<semaphore_mem>>) src(%dma_wait3A_119 : memref<32x52x512xf32, #tpu.memory_space<vmem>>) dst(%dma_wait3A_114 : memref<32x52x512xf32, #tpu.memory_space<any>>)
    %dma_wait3A_120 = arith.constant 0 : i32
    %dma_wait3A_121 = arith.constant 0 : i32
    %dma_wait3A_122 = tpu.memref_slice %arg11[%dma_wait3A_121] : memref<3x!tpu.dma_semaphore, #tpu.memory_space<semaphore_mem>> -> memref<1x!tpu.dma_semaphore, #tpu.memory_space<semaphore_mem>>
    %dma_wait3A_123 = tpu.memref_squeeze %dma_wait3A_122 : memref<1x!tpu.dma_semaphore, #tpu.memory_space<semaphore_mem>> -> memref<!tpu.dma_semaphore, #tpu.memory_space<semaphore_mem>>
    %dma_wait3A_124 = arith.constant 960 : i32
    %dma_wait3A_125 = arith.constant 0 : i32
    %dma_wait3A_126 = arith.constant 0 : i32
    %dma_wait3A_127 = tpu.memref_slice %arg3[%dma_wait3A_124, %dma_wait3A_125, %dma_wait3A_126] : memref<1024x52x512xf32, #tpu.memory_space<any>> -> memref<32x52x512xf32, #tpu.memory_space<any>>
    %dma_wait3A_128 = arith.constant 0 : i32
    %dma_wait3A_129 = arith.constant 0 : i32
    %dma_wait3A_130 = arith.constant 0 : i32
    %dma_wait3A_131 = tpu.memref_slice %arg7[%dma_wait3A_120, %dma_wait3A_128, %dma_wait3A_129, %dma_wait3A_130] : memref<3x32x52x512xf32, #tpu.memory_space<vmem>> -> memref<1x32x52x512xf32, #tpu.memory_space<vmem>>
    %dma_wait3A_132 = tpu.memref_squeeze %dma_wait3A_131 : memref<1x32x52x512xf32, #tpu.memory_space<vmem>> -> memref<32x52x512xf32, #tpu.memory_space<vmem>>
    tpu.wait_dma2 semaphore(%dma_wait3A_123 : memref<!tpu.dma_semaphore, #tpu.memory_space<semaphore_mem>>) src(%dma_wait3A_132 : memref<32x52x512xf32, #tpu.memory_space<vmem>>) dst(%dma_wait3A_127 : memref<32x52x512xf32, #tpu.memory_space<any>>)
    %dma_wait3A_133 = arith.constant 1 : i32
    %dma_wait3A_134 = arith.constant 1 : i32
    %dma_wait3A_135 = tpu.memref_slice %arg11[%dma_wait3A_134] : memref<3x!tpu.dma_semaphore, #tpu.memory_space<semaphore_mem>> -> memref<1x!tpu.dma_semaphore, #tpu.memory_space<semaphore_mem>>
    %dma_wait3A_136 = tpu.memref_squeeze %dma_wait3A_135 : memref<1x!tpu.dma_semaphore, #tpu.memory_space<semaphore_mem>> -> memref<!tpu.dma_semaphore, #tpu.memory_space<semaphore_mem>>
    %dma_wait3A_137 = arith.constant 992 : i32
    %dma_wait3A_138 = arith.constant 0 : i32
    %dma_wait3A_139 = arith.constant 0 : i32
    %dma_wait3A_140 = tpu.memref_slice %arg3[%dma_wait3A_137, %dma_wait3A_138, %dma_wait3A_139] : memref<1024x52x512xf32, #tpu.memory_space<any>> -> memref<32x52x512xf32, #tpu.memory_space<any>>
    %dma_wait3A_141 = arith.constant 0 : i32
    %dma_wait3A_142 = arith.constant 0 : i32
    %dma_wait3A_143 = arith.constant 0 : i32
    %dma_wait3A_144 = tpu.memref_slice %arg7[%dma_wait3A_133, %dma_wait3A_141, %dma_wait3A_142, %dma_wait3A_143] : memref<3x32x52x512xf32, #tpu.memory_space<vmem>> -> memref<1x32x52x512xf32, #tpu.memory_space<vmem>>
    %dma_wait3A_145 = tpu.memref_squeeze %dma_wait3A_144 : memref<1x32x52x512xf32, #tpu.memory_space<vmem>> -> memref<32x52x512xf32, #tpu.memory_space<vmem>>
    tpu.wait_dma2 semaphore(%dma_wait3A_136 : memref<!tpu.dma_semaphore, #tpu.memory_space<semaphore_mem>>) src(%dma_wait3A_145 : memref<32x52x512xf32, #tpu.memory_space<vmem>>) dst(%dma_wait3A_140 : memref<32x52x512xf32, #tpu.memory_space<any>>)
    return
  }
}

</mosaic_0001>

<sc_bundles>
// kernel: _run.4.cloned.1.call-start
scs
__scs_entry_jumppad:
0x0: {  	(pc) =	sbr.rel $0x88, $3  }
0x1: {  	(tag) =	ssettag $0x0;
	lr =	simm.s32 $0x1  }
0x2: {  	[smem:$0x3F9C] =	sst lr;
	_ =	strace $0xD0000000  }
0x3: {  	_ = 	snop  }
0x4: {  	_ = 	snop  }
0x5: {  	_ = 	snop  }
0x6: {  	_ = 	snop  }
0x7: {  	_ = 	snop  }
__scs_overlays_trampoline_lowered:
0x8: {  	[smem:$0x3FAB] =	sst s0  }
0x9: {  	[smem:$0x3FAC] =	sst s1  }
0xa: {  	[smem:$0x3FAD] =	sst s2  }
0xb: {  	[smem:$0x3FAE] =	sst s3  }
0xc: {  	[smem:$0x3FAF] =	sst s4  }
0xd: {  	[smem:$0x3FB0] =	sst s5  }
0xe: {  	[smem:$0x3FB1] =	sst s6  }
0xf: {  	[smem:$0x3FB2] =	sst s7  }
0x10: {  	[smem:$0x3FB3] =	sst s8  }
0x11: {  	[smem:$0x3FB4] =	sst s9;
	s0 =	simm.s32 @!p0 $0x0  }
0x12: {  	s1 =	sld [smem:$0x3F9A];
	s0 =	simm.s32 @p0 $0x1  }
0x13: {  	[smem:$0x3FB5] =	sst s0;
	s0 =	simm.s32 @!p1 $0x0  }
0x14: {  	s2 =	sld [smem:$0x3F99];
	s0 =	simm.s32 @p1 $0x1  }
0x15: {  	[smem:$0x3FB6] =	sst s0;
	s0 =	simm.s32 @!p2 $0x0  }
0x16: {  	s3 =	sld [smem:$0x3FDB];
	s0 =	simm.s32 @p2 $0x1  }
0x17: {  	s4 =	simm.s32 $0x1BF5;
	[smem:$0x3FB8] =	sst s0  }
0x18: {  	s0 =	sld [smem:$0x3F9B];
	_ =	swait.ge [sflag:s4], $0x0  }
0x19: {  	s7 =	sld [smem:$0x3F9C]  }
0x1a: {  	s8 =	sadd.s32 $0xFFFFE003, lr  }
0x1b: {  	s9 =	sadd.s32 $0xFFFFFEF7, lr;
	s5 =	simm.s32 $0xFFFFFFFF;
	p2 =	slt.u32 s8, $0xFFFFF086  }
0x1c: {  	p1 =	slt.u32 s9, $0xF7A;
	s5 =	simm.s32 @!p2 $0x0  }
0x1d: {  	s5 =	simm.s32 @p1 $0x1;
	p0 =	seq.s32 s7, s2  }
0x1e: {  	s7 =	smul.u32 @!p0 $0xF7A, s2;
	p2 =	seq.s32 @!p0 s5, $0x0  }
0x1f: {  	s9 =	smul.u32 $0xF7A, s1;
	s8 =	simm.s32 @!p0 $0x1BF5;
	p2 =	por !p2, p0  }
0x20: {  	[sflag:s8] =	ssyncset.s32 @!p0 $0xFFFFF086;
	s6 =	sadd.s32 @!p0 s3, s7;
	s7 =	simm.s32 @!p0 $0x108  }
0x21: {  	s3 =	sadd.s32 s3, s9;
	s6 =	sadd.s32 @!p0 $0x88, s6;
	s7 =	simm.s32 @p2 $0x1082  }
0x22: {  	[simem:s7], [sflag:s8] =	dma.local @!p0 [hbm:s6], $0xF7A  }
0x23: {  	s9 =	sor.u32 $0xD0000000, s2;
	s6 =	simm.s32 $0x108;
	_ =	swait.ge @!p0 [sflag:s8], $0x0  }
0x24: {  	s3 =	sadd.s32 $0x88, s3;
	s6 =	simm.s32 @!p1 $0x1082;
	[sflag:s4] =	ssyncset.s32 $0xFFFFF086  }
0x25: {  	[simem:s6], [sflag:s4] =	dma.local [hbm:s3], $0xF7A  }
0x26: {  	[smem:$0x3F9C] =	sst s1;
	(tag) =	ssettag s2;
	_ =	strace s9  }
0x27: {  	s1 =	sld [smem:$0x3FAC]  }
0x28: {  	s2 =	sld [smem:$0x3FAD]  }
0x29: {  	s4 =	sld [smem:$0x3FAF]  }
0x2a: {  	p0 =	seq.s32 s5, $0x0;
	s5 =	sld [smem:$0x3FB0]  }
0x2b: {  	s6 =	sld [smem:$0x3FB1]  }
0x2c: {  	s7 =	sld [smem:$0x3FB2]  }
0x2d: {  	s3 =	simm.s32 $0x108;
	s8 =	sld [smem:$0x3FB3]  }
0x2e: {  	s3 =	simm.s32 @!p0 $0x1082;
	s9 =	sld [smem:$0x3FB4]  }
0x2f: {  	lr =	sadd.s32 s0, s3;
	s0 =	sld [smem:$0x3FAB]  }
0x30: {  	s3 =	sld [smem:$0x3FAE]  }
0x31: {  	[smem:$0x3FB7] =	sst s10  }
0x32: {  	s10 =	sld [smem:$0x3FB5];
	_ =	sdelay $0x3  }
0x33: {  	p0 =	seq.s32 s10, $0x1;
	s10 =	sld [smem:$0x3FB7];
	_ =	sdelay $0x3  }
0x34: {  	[smem:$0x3FB7] =	sst s10  }
0x35: {  	s10 =	sld [smem:$0x3FB6];
	_ =	sdelay $0x3  }
0x36: {  	p1 =	seq.s32 s10, $0x1;
	s10 =	sld [smem:$0x3FB7];
	_ =	sdelay $0x3  }
0x37: {  	[smem:$0x3FB7] =	sst s10  }
0x38: {  	s10 =	sld [smem:$0x3FB8]  }
0x39: {  	_ = 	snop;
	(pc) =	sbr.ind lr, $3  }
0x3a: {  	_ = 	snop  }
0x3b: {  	_ = 	snop  }
0x3c: {  	p2 =	seq.s32 s10, $0x1;
	s10 =	sld [smem:$0x3FB7]  }
0x3d: {  	_ =	shalt  }
0x3e: {  	_ =	shalt  }
0x3f: {  	_ =	shalt  }
0x40: {  	_ =	shalt  }
0x41: {  	_ =	shalt  }
0x42: {  	_ =	shalt  }
0x43: {  	_ =	shalt  }
0x44: {  	_ =	shalt  }
0x45: {  	_ =	shalt  }
0x46: {  	_ =	shalt  }
0x47: {  	_ =	shalt  }
0x48: {  	_ =	shalt  }
0x49: {  	_ =	shalt  }
0x4a: {  	_ =	shalt  }
0x4b: {  	_ =	shalt  }
0x4c: {  	_ =	shalt  }
0x4d: {  	_ =	shalt  }
0x4e: {  	_ =	shalt  }
0x4f: {  	_ =	shalt  }
0x50: {  	_ =	shalt  }
0x51: {  	_ =	shalt  }
0x52: {  	_ =	shalt  }
0x53: {  	_ =	shalt  }
0x54: {  	_ =	shalt  }
0x55: {  	_ =	shalt  }
0x56: {  	_ =	shalt  }
0x57: {  	_ =	shalt  }
0x58: {  	_ =	shalt  }
0x59: {  	_ =	shalt  }
0x5a: {  	_ =	shalt  }
0x5b: {  	_ =	shalt  }
0x5c: {  	_ =	shalt  }
0x5d: {  	_ =	shalt  }
0x5e: {  	_ =	shalt  }
0x5f: {  	_ =	shalt  }
0x60: {  	_ =	shalt  }
0x61: {  	_ =	shalt  }
0x62: {  	_ =	shalt  }
0x63: {  	_ =	shalt  }
0x64: {  	_ =	shalt  }
0x65: {  	_ =	shalt  }
0x66: {  	_ =	shalt  }
0x67: {  	_ =	shalt  }
0x68: {  	_ =	shalt  }
0x69: {  	_ =	shalt  }
0x6a: {  	_ =	shalt  }
0x6b: {  	_ =	shalt  }
0x6c: {  	_ =	shalt  }
0x6d: {  	_ =	shalt  }
0x6e: {  	_ =	shalt  }
0x6f: {  	_ =	shalt  }
0x70: {  	_ =	shalt  }
0x71: {  	_ =	shalt  }
0x72: {  	_ =	shalt  }
0x73: {  	_ =	shalt  }
0x74: {  	_ =	shalt  }
0x75: {  	_ =	shalt  }
0x76: {  	_ =	shalt  }
0x77: {  	_ =	shalt  }
0x78: {  	_ =	shalt  }
0x79: {  	_ =	shalt  }
0x7a: {  	_ =	shalt  }
0x7b: {  	_ =	shalt  }
0x7c: {  	_ =	shalt  }
0x7d: {  	_ =	shalt  }
0x7e: {  	_ =	shalt  }
0x7f: {  	_ =	shalt  }
0x80: {  	_ =	shalt  }
0x81: {  	_ =	shalt  }
0x82: {  	_ =	shalt  }
0x83: {  	_ =	shalt  }
0x84: {  	_ =	shalt  }
0x85: {  	_ =	shalt  }
0x86: {  	_ =	shalt  }
0x87: {  	_ =	shalt  }
.Lfunc_end0:
.L_simem_size_0:
called_computation_lowered:
.L_overlay_start_0:
0x88: {  	s0 =	sld [smem:$0x3FD9]  }
0x89: {  	s1 =	sld [smem:$0x3FFE];
	_ =	sdelay $0x3  }
0x8a: {  	s0 =	sadd.s32 s1, s0  }
0x8b: {  	[smem:$0x3FC3] =	sst s0  }
0x8c: {  	_ = 	snop  }
0x8d: {  	s0 =	sld [smem:$0x3FC8]  }
0x8e: {  	s16 =	sld [smem:$0x3FC7]  }
0x8f: {  	s2 =	sld [smem:$0x3FC6]  }
0x90: {  	s3 =	sld [smem:$0x3FC5]  }
0x91: {  	s4 =	sld [smem:$0x3FD0];
	(tm) =	ssettm $0x1  }
0x92: {  	s5 =	sld [smem:$0x3FFB];
	_ =	sdelay $0x3  }
0x93: {  	_ =	strace s5  }
0x94: {  	s5 =	sld [smem:$0x3FFC];
	_ =	sdelay $0x3  }
0x95: {  	_ =	strace s5  }
0x96: {  	s5 =	sld [smem:$0x3FFD];
	_ =	sdelay $0x3  }
0x97: {  	_ =	strace s5  }
0x98: {  	_ =	strace $0x8FFFFFFF  }
0x99: {  	s17 =	sld [smem:$0x3FDB];
	_ =	sdelay $0x1  }
0x9a: {  	s6 =	simm.s32 $_scs_section_size  }
0x9b: {  	s7 =	simm.s32 $_size__tile_overlayer_lowered;
	s8 =	simm.s32 $_tile_overlayer_lowered  }
0x9c: {  	s20 =	simm.s32 $0x1BFF;
	s19 =	sshll.u32 s8, $0x1;
	s5 =	sadd.s32 s6, s17  }
0x9d: {  	s9 =	simm.s32 $0x0;
	s18 =	sshll.u32 s7, $0x1;
	s7 =	sadd.s32 s19, s5  }
0x9e: {  	[timem:s9], [sflag:s20] =	dma.local [hbm:s7], s18  }
0x9f: {  	_ =	swait.ge [sflag:s20], s18  }
0xa0: {  	s6 =	ssub.s32 $0x0, s18;
	[sflag:s20] =	ssyncset.done $0x0  }
0xa1: {  	[sflag:s20] =	ssyncadd.s32 s6;
	_ =	sdelay $0x1  }
0xa2: {  	s21 =	simm.s32 $0x1B8B  }
0xa3: {  	_ =	swait.ge [sflag:s21], $0x1  }
0xa4: {  	[sflag:s21] =	ssyncset.done $0x0  }
0xa5: {  	s23 =	simm.s32 $0x1B8E;
	s22 =	sld [smem:$0x3FFE];
	[sflag:s21] =	ssyncadd.s32 $0xFFFFFFFF  }
0xa6: {  	s24 =	simm.s32 $execute0_lowered;
	[smem:$0x3FD2] =	sst s23  }
0xa7: {  	s7 =	sshll.u32 s24, $0x1;
	_ =	strace $0x80000046;
	[dreg:$0x1] =	wrdreg $0xFFFFFFFF  }
0xa8: {  	s25 =	simm.s32 $_size_execute0_lowered;
	s5 =	sadd.s32 s5, s7;
	[dreg:$0x0] =	wrdreg $0x0  }
0xa9: {  	s7 =	sshll.u32 s25, $0x1;
	[dreg:$0x2] =	wrdreg s5  }
0xaa: {  	[dreg:$0x3] =	wrdreg s7  }
0xab: {  	[dreg:$0x4] =	wrdreg $0xC0  }
0xac: {  	_ =	task [dreg:s9], $0x5FFFF  }
0xad: {  	[dreg:$0x1] =	wrdreg $0xFFFFFFFF  }
0xae: {  	[dreg:$0x0] =	wrdreg $0x60  }
0xaf: {  	[dreg:$0x2] =	wrdreg s0  }
0xb0: {  	[dreg:$0x3] =	wrdreg s16  }
0xb1: {  	[dreg:$0x4] =	wrdreg s2  }
0xb2: {  	[dreg:$0x5] =	wrdreg s3  }
0xb3: {  	[dreg:$0x6] =	wrdreg s4  }
0xb4: {  	[dreg:$0x7] =	wrdreg s22  }
0xb5: {  	[dreg:$0x8] =	wrdreg $0x9  }
0xb6: {  	_ =	task.clear_ibuf [dreg:s9], $0x9FFFF;
	_ =	strace $0x90000046  }
0xb7: {  	s26 =	simm.s32 $0x9;
	_ =	strace $0x80000048  }
0xb8: {  	_ =	swait.ge [sflag:s26], $0x1  }
0xb9: {  	[sflag:s26] =	ssyncadd.s32 $0xFFFFFFFF  }
0xba: {  	_ =	strace $0x90000048  }
0xbb: {  	_ =	sfence  }
0xbc: {  	s28 =	sld [smem:$0x0];
	_ =	sdelay $0x1  }
0xbd: {  	s29 =	srdreg.scid  }
0xbe: {  	s30 =	sshll.u32 s29, $0xD;
	s31 =	sshrl.u32 s29, $0x2  }
0xbf: {  	s1 =	sand.u32 $0x1, s29;
	s2 =	sand.u32 $0x4000, s30;
	s0 =	sadd.s32 s31, s28  }
0xc0: {  	s1 =	sor.u32 s2, s1;
	s0 =	sshll.u32 s0, $0x11  }
0xc1: {  	s0 =	sor.u32 s0, s1  }
0xc2: {  	s0 =	sadd.s32 $0x8F2B, s0  }
0xc3: {  	[sflag:s0] =	ssyncadd.remote.s32 $0x1  }
0xc4: {  	_ =	sfence.sel $0xFFFF  }
0xc5: {  	[dreg:$0x0] =	wrdreg $0xFFFFFFFF;
	(pc) =	sbr.abs _section_cstart, $3  }
0xc6: {  	[dreg:$0x1] =	wrdreg $0xFFFFFFFF  }
0xc7: {  	_ =	task.clear_ibuf [dreg:s9], $0x2FFFF;
	_ =	strace $0x9FFFFFFF  }
0xc8: {  	(tm) =	ssettm $0x7FFFFFFF  }
0xc9: {  	_ =	shalt  }
tec
execute0_lowered:
.L_overlay_start_1:
0x0: {  	(tag) =	ssettag $0x1  }
0x1: {  	s6 =	rddreg [dreg:$0x0]  }
0x2: {  	s8 =	rddreg [dreg:$0x1]  }
0x3: {  	s7 =	rddreg [dreg:$0x2]  }
0x4: {  	s5 =	rddreg [dreg:$0x3]  }
0x5: {  	s3 =	rddreg [dreg:$0x4]  }
0x6: {  	s4 =	rddreg [dreg:$0x5]  }
0x7: {  	s0 =	rddreg [dreg:$0x6];
	s2 =	simm.s32 $0x0;
	s1 =	stileid.u32  }
0x8: {  	[smem:$0x7FF] =	sst s2;
	s9 =	sshll.u32 s1, $0x3  }
0x9: {  	s14 =	simm.s32 $0x3;
	_ =	strace $0x80000047;
	s6 =	sadd.s32 s6, s9  }
0xa: {  	[tilespmem:s2], [sflag:$0x3] =	stream.linear.gather [hbm4b:s6+s2], $0x40, $0x38;
	[tilespmem:$0x10100] =	vst v63  }
0xb: {  	_ =	swait.ge [sflag:s14], $0x40  }
0xc: {  	[sflag:s14] =	ssyncset.done $0x0  }
0xd: {  	s15 =	simm.s32 $0x80;
	s8 =	sadd.s32 s8, s9;
	[sflag:s14] =	ssyncadd.s32 $0xFFFFFFC0  }
0xe: {  	[tilespmem:s15], [sflag:$0x3] =	stream.linear.gather [hbm4b:s8+s2], $0x40, $0x38;
	[tilespmem:$0x10100] =	vst v63  }
0xf: {  	_ =	swait.ge [sflag:s14], $0x40  }
0x10: {  	[sflag:s14] =	ssyncset.done $0x0  }
0x11: {  	[sflag:s14] =	ssyncadd.s32 $0xFFFFFFC0  }
0x12: {  	v0 =	vld [tilespmem:$0x0];
	_ =	sdelay $0x4  }
0x13: {  	v1 =	vshll.u32 v0, $0x2  }
0x14: {  	v2 =	vlaneseq.u32;
	v0 =	vand.u32 $0x7, v0;
	v1 =	vand.u32 $0xFFFFFFE0, v1  }
0x15: {  	v56 =	vand.u32 $0x7, v2;
	v3 =	vshrl.u32 v2, $0x3;
	v0 =	vor.u32 v0, v1  }
0x16: {  	v3 =	vmul.u32 $0x8, v3;
	v4 =	vperm.xlane v0, v56;
	_ =	sdelay $0x1  }
0x17: {  	v4 =	vadd.s32 v3, v4  }
0x18: {  	v2 =	vor.u32 $0x8, v2  }
0x19: {  	v0 =	vperm.xlane v0, v2;
	_ =	sdelay $0x1  }
0x1a: {  	vm0 =	vmmov $0xffff;
	s6 =	simm.s32 $0x100;
	v0 =	vadd.s32 v3, v0  }
0x1b: {  	[tilespmem:s6], [sflag:$0x1] =	stream.indirect_vreg.gather [hbm4b:s7+s2], $0x80, v4, vm0, $0xb8;
	[tilespmem:$0x10100] =	vst v63  }
0x1c: {  	s17 =	simm.s32 $0x900;
	s16 =	sadd.s32 $0x100, s7  }
0x1d: {  	[tilespmem:s17], [sflag:$0x1] =	stream.indirect_vreg.gather [hbm4b:s16+s2], $0x80, v4, vm0, $0xb8;
	[tilespmem:$0x10100] =	vst v63  }
0x1e: {  	s18 =	simm.s32 $0x1100  }
0x1f: {  	[tilespmem:s18], [sflag:$0x1] =	stream.indirect_vreg.gather [hbm4b:s7+s2], $0x80, v0, vm0, $0xb8;
	[tilespmem:$0x10100] =	vst v63  }
0x20: {  	s19 =	simm.s32 $0x1900  }
0x21: {  	[tilespmem:s19], [sflag:$0x1] =	stream.indirect_vreg.gather [hbm4b:s16+s2], $0x80, v0, vm0, $0xb8;
	[tilespmem:$0x10100] =	vst v63  }
0x22: {  	v0 =	vld [tilespmem:$0x10];
	_ =	sdelay $0x4  }
0x23: {  	v57 =	vshll.u32 v0, $0x2  }
0x24: {  	v0 =	vand.u32 $0x7, v0;
	v4 =	vand.u32 $0xFFFFFFE0, v57  }
0x25: {  	v0 =	vor.u32 v0, v4  }
0x26: {  	v4 =	vperm.xlane v0, v56;
	_ =	sdelay $0x1  }
0x27: {  	v4 =	vadd.s32 v3, v4;
	_ =	sdelay $0x1  }
0x28: {  	v0 =	vperm.xlane v0, v2;
	_ =	sdelay $0x1  }
0x29: {  	s20 =	simm.s32 $0x2100;
	v0 =	vadd.s32 v3, v0  }
0x2a: {  	[tilespmem:s20], [sflag:$0x1] =	stream.indirect_vreg.gather [hbm4b:s7+s2], $0x80, v4, vm0, $0xb8;
	[tilespmem:$0x10100] =	vst v63  }
0x2b: {  	s21 =	simm.s32 $0x2900  }
0x2c: {  	[tilespmem:s21], [sflag:$0x1] =	stream.indirect_vreg.gather [hbm4b:s16+s2], $0x80, v4, vm0, $0xb8;
	[tilespmem:$0x10100] =	vst v63  }
0x2d: {  	s22 =	simm.s32 $0x3100  }
0x2e: {  	[tilespmem:s22], [sflag:$0x1] =	stream.indirect_vreg.gather [hbm4b:s7+s2], $0x80, v0, vm0, $0xb8;
	[tilespmem:$0x10100] =	vst v63  }
0x2f: {  	s23 =	simm.s32 $0x3900  }
0x30: {  	[tilespmem:s23], [sflag:$0x1] =	stream.indirect_vreg.gather [hbm4b:s16+s2], $0x80, v0, vm0, $0xb8;
	[tilespmem:$0x10100] =	vst v63  }
0x31: {  	v0 =	vld [tilespmem:$0x20];
	_ =	sdelay $0x4  }
0x32: {  	v58 =	vshll.u32 v0, $0x2  }
0x33: {  	v0 =	vand.u32 $0x7, v0;
	v4 =	vand.u32 $0xFFFFFFE0, v58  }
0x34: {  	v0 =	vor.u32 v0, v4  }
0x35: {  	v4 =	vperm.xlane v0, v56;
	_ =	sdelay $0x1  }
0x36: {  	v4 =	vadd.s32 v3, v4;
	_ =	sdelay $0x1  }
0x37: {  	v0 =	vperm.xlane v0, v2;
	_ =	sdelay $0x1  }
0x38: {  	s24 =	simm.s32 $0x4100;
	v0 =	vadd.s32 v3, v0  }
0x39: {  	[tilespmem:s24], [sflag:$0x1] =	stream.indirect_vreg.gather [hbm4b:s7+s2], $0x80, v4, vm0, $0xb8;
	[tilespmem:$0x10100] =	vst v63  }
0x3a: {  	s25 =	simm.s32 $0x4900  }
0x3b: {  	[tilespmem:s25], [sflag:$0x1] =	stream.indirect_vreg.gather [hbm4b:s16+s2], $0x80, v4, vm0, $0xb8;
	[tilespmem:$0x10100] =	vst v63  }
0x3c: {  	s26 =	simm.s32 $0x5100  }
0x3d: {  	[tilespmem:s26], [sflag:$0x1] =	stream.indirect_vreg.gather [hbm4b:s7+s2], $0x80, v0, vm0, $0xb8;
	[tilespmem:$0x10100] =	vst v63  }
0x3e: {  	s28 =	simm.s32 $0x5900  }
0x3f: {  	[tilespmem:s28], [sflag:$0x1] =	stream.indirect_vreg.gather [hbm4b:s16+s2], $0x80, v0, vm0, $0xb8;
	[tilespmem:$0x10100] =	vst v63  }
0x40: {  	v0 =	vld [tilespmem:$0x30];
	_ =	sdelay $0x4  }
0x41: {  	v59 =	vshll.u32 v0, $0x2  }
0x42: {  	v0 =	vand.u32 $0x7, v0;
	v4 =	vand.u32 $0xFFFFFFE0, v59  }
0x43: {  	v0 =	vor.u32 v0, v4  }
0x44: {  	v4 =	vperm.xlane v0, v56;
	_ =	sdelay $0x1  }
0x45: {  	v4 =	vadd.s32 v3, v4;
	_ =	sdelay $0x1  }
0x46: {  	v0 =	vperm.xlane v0, v2;
	_ =	sdelay $0x1  }
0x47: {  	s29 =	simm.s32 $0x6100;
	v0 =	vadd.s32 v3, v0  }
0x48: {  	[tilespmem:s29], [sflag:$0x1] =	stream.indirect_vreg.gather [hbm4b:s7+s2], $0x80, v4, vm0, $0xb8;
	[tilespmem:$0x10100] =	vst v63  }
0x49: {  	s30 =	simm.s32 $0x6900  }
0x4a: {  	[tilespmem:s30], [sflag:$0x1] =	stream.indirect_vreg.gather [hbm4b:s16+s2], $0x80, v4, vm0, $0xb8;
	[tilespmem:$0x10100] =	vst v63  }
0x4b: {  	s31 =	simm.s32 $0x7100  }
0x4c: {  	[tilespmem:s31], [sflag:$0x1] =	stream.indirect_vreg.gather [hbm4b:s7+s2], $0x80, v0, vm0, $0xb8;
	[tilespmem:$0x10100] =	vst v63  }
0x4d: {  	s9 =	simm.s32 $0x7900  }
0x4e: {  	[tilespmem:s9], [sflag:$0x1] =	stream.indirect_vreg.gather [hbm4b:s16+s2], $0x80, v0, vm0, $0xb8;
	[tilespmem:$0x10100] =	vst v63  }
0x4f: {  	v0 =	vld [tilespmem:$0x80];
	_ =	sdelay $0x4  }
0x50: {  	v60 =	vshll.u32 v0, $0x2  }
0x51: {  	v0 =	vand.u32 $0x7, v0;
	v4 =	vand.u32 $0xFFFFFFE0, v60  }
0x52: {  	v0 =	vor.u32 v0, v4  }
0x53: {  	v4 =	vperm.xlane v0, v56;
	_ =	sdelay $0x1  }
0x54: {  	v4 =	vadd.s32 v3, v4;
	_ =	sdelay $0x1  }
0x55: {  	v0 =	vperm.xlane v0, v2;
	_ =	sdelay $0x1  }
0x56: {  	s10 =	simm.s32 $0x8100;
	v0 =	vadd.s32 v3, v0  }
0x57: {  	[tilespmem:s10], [sflag:$0x2] =	stream.indirect_vreg.gather [hbm4b:s5+s2], $0x80, v4, vm0, $0xb8;
	[tilespmem:$0x10100] =	vst v63  }
0x58: {  	s12 =	simm.s32 $0x8900;
	s11 =	sadd.s32 $0x100, s5  }
0x59: {  	[tilespmem:s12], [sflag:$0x2] =	stream.indirect_vreg.gather [hbm4b:s11+s2], $0x80, v4, vm0, $0xb8;
	[tilespmem:$0x10100] =	vst v63  }
0x5a: {  	s13 =	simm.s32 $0x9100  }
0x5b: {  	[tilespmem:s13], [sflag:$0x2] =	stream.indirect_vreg.gather [hbm4b:s5+s2], $0x80, v0, vm0, $0xb8;
	[tilespmem:$0x10100] =	vst v63  }
0x5c: {  	s14 =	simm.s32 $0x9900  }
0x5d: {  	[tilespmem:s14], [sflag:$0x2] =	stream.indirect_vreg.gather [hbm4b:s11+s2], $0x80, v0, vm0, $0xb8;
	[tilespmem:$0x10100] =	vst v63  }
0x5e: {  	v0 =	vld [tilespmem:$0x90];
	_ =	sdelay $0x4  }
0x5f: {  	v61 =	vshll.u32 v0, $0x2  }
0x60: {  	v0 =	vand.u32 $0x7, v0;
	v4 =	vand.u32 $0xFFFFFFE0, v61  }
0x61: {  	v0 =	vor.u32 v0, v4  }
0x62: {  	v4 =	vperm.xlane v0, v56;
	_ =	sdelay $0x1  }
0x63: {  	v4 =	vadd.s32 v3, v4;
	_ =	sdelay $0x1  }
0x64: {  	v0 =	vperm.xlane v0, v2;
	_ =	sdelay $0x1  }
0x65: {  	s15 =	simm.s32 $0xA100;
	v0 =	vadd.s32 v3, v0  }
0x66: {  	[tilespmem:s15], [sflag:$0x2] =	stream.indirect_vreg.gather [hbm4b:s5+s2], $0x80, v4, vm0, $0xb8;
	[tilespmem:$0x10100] =	vst v63  }
0x67: {  	s16 =	simm.s32 $0xA900  }
0x68: {  	[tilespmem:s16], [sflag:$0x2] =	stream.indirect_vreg.gather [hbm4b:s11+s2], $0x80, v4, vm0, $0xb8;
	[tilespmem:$0x10100] =	vst v63  }
0x69: {  	s17 =	simm.s32 $0xB100  }
0x6a: {  	[tilespmem:s17], [sflag:$0x2] =	stream.indirect_vreg.gather [hbm4b:s5+s2], $0x80, v0, vm0, $0xb8;
	[tilespmem:$0x10100] =	vst v63  }
0x6b: {  	s18 =	simm.s32 $0xB900  }
0x6c: {  	[tilespmem:s18], [sflag:$0x2] =	stream.indirect_vreg.gather [hbm4b:s11+s2], $0x80, v0, vm0, $0xb8;
	[tilespmem:$0x10100] =	vst v63  }
0x6d: {  	v0 =	vld [tilespmem:$0xA0];
	_ =	sdelay $0x4  }
0x6e: {  	v62 =	vshll.u32 v0, $0x2  }
0x6f: {  	v0 =	vand.u32 $0x7, v0;
	v4 =	vand.u32 $0xFFFFFFE0, v62  }
0x70: {  	v0 =	vor.u32 v0, v4  }
0x71: {  	v4 =	vperm.xlane v0, v56;
	_ =	sdelay $0x1  }
0x72: {  	v4 =	vadd.s32 v3, v4;
	_ =	sdelay $0x1  }
0x73: {  	v0 =	vperm.xlane v0, v2;
	_ =	sdelay $0x1  }
0x74: {  	s19 =	simm.s32 $0xC100;
	v0 =	vadd.s32 v3, v0  }
0x75: {  	[tilespmem:s19], [sflag:$0x2] =	stream.indirect_vreg.gather [hbm4b:s5+s2], $0x80, v4, vm0, $0xb8;
	[tilespmem:$0x10100] =	vst v63  }
0x76: {  	s20 =	simm.s32 $0xC900  }
0x77: {  	[tilespmem:s20], [sflag:$0x2] =	stream.indirect_vreg.gather [hbm4b:s11+s2], $0x80, v4, vm0, $0xb8;
	[tilespmem:$0x10100] =	vst v63  }
0x78: {  	s21 =	simm.s32 $0xD100  }
0x79: {  	[tilespmem:s21], [sflag:$0x2] =	stream.indirect_vreg.gather [hbm4b:s5+s2], $0x80, v0, vm0, $0xb8;
	[tilespmem:$0x10100] =	vst v63  }
0x7a: {  	s22 =	simm.s32 $0xD900  }
0x7b: {  	[tilespmem:s22], [sflag:$0x2] =	stream.indirect_vreg.gather [hbm4b:s11+s2], $0x80, v0, vm0, $0xb8;
	[tilespmem:$0x10100] =	vst v63  }
0x7c: {  	v0 =	vld [tilespmem:$0xB0];
	_ =	sdelay $0x4  }
0x7d: {  	v63 =	vshll.u32 v0, $0x2  }
0x7e: {  	v0 =	vand.u32 $0x7, v0;
	v4 =	vand.u32 $0xFFFFFFE0, v63  }
0x7f: {  	v0 =	vor.u32 v0, v4  }
0x80: {  	v1 =	vperm.xlane v0, v56;
	_ =	sdelay $0x1  }
0x81: {  	v1 =	vadd.s32 v3, v1;
	_ =	sdelay $0x1  }
0x82: {  	v0 =	vperm.xlane v0, v2;
	_ =	sdelay $0x1  }
0x83: {  	s23 =	simm.s32 $0xE100;
	v0 =	vadd.s32 v3, v0  }
0x84: {  	[tilespmem:s23], [sflag:$0x2] =	stream.indirect_vreg.gather [hbm4b:s5+s2], $0x80, v1, vm0, $0xb8;
	[tilespmem:$0x10100] =	vst v63  }
0x85: {  	s24 =	simm.s32 $0xE900  }
0x86: {  	[tilespmem:s24], [sflag:$0x2] =	stream.indirect_vreg.gather [hbm4b:s11+s2], $0x80, v1, vm0, $0xb8;
	[tilespmem:$0x10100] =	vst v63  }
0x87: {  	s25 =	simm.s32 $0xF100  }
0x88: {  	[tilespmem:s25], [sflag:$0x2] =	stream.indirect_vreg.gather [hbm4b:s5+s2], $0x80, v0, vm0, $0xb8;
	[tilespmem:$0x10100] =	vst v63  }
0x89: {  	s26 =	simm.s32 $0xF900;
	s28 =	simm.s32 $0x1  }
0x8a: {  	[tilespmem:s26], [sflag:$0x2] =	stream.indirect_vreg.gather [hbm4b:s11+s2], $0x80, v0, vm0, $0xb8;
	[tilespmem:$0x10100] =	vst v63  }
0x8b: {  	_ =	swait.ge [sflag:s28], $0x8000  }
0x8c: {  	[sflag:s28] =	ssyncset.done $0x0  }
0x8d: {  	s29 =	simm.s32 $0x2;
	[sflag:s28] =	ssyncadd.s32 $0xFFFF8000  }
0x8e: {  	_ =	swait.ge [sflag:s29], $0x8000  }
0x8f: {  	s30 =	sshll.u32 s1, $0xC;
	[sflag:s29] =	ssyncset.done $0x0  }
0x90: {  	s4 =	sadd.s32 s30, s4;
	s3 =	sadd.s32 s3, s30;
	[sflag:s29] =	ssyncadd.s32 $0xFFFF8000  }
0x91: {  	[hbm4b:s3+s2] =	stream.linear.scatter [tilespmem:s6], [sflag:$0x1], $0x8000, $0x38;
	[tilespmem:$0x10100] =	vst v63  }
0x92: {  	s31 =	sadd.s32 $0xC00, s4  }
0x93: {  	[hbm4b:s31+s2] =	stream.linear.scatter [tilespmem:s10], [sflag:$0x2], $0x8000, $0x38;
	[tilespmem:$0x10100] =	vst v63  }
0x94: {  	_ =	swait.ge [sflag:s28], $0x8000  }
0x95: {  	[sflag:s28] =	ssyncset.done $0x0  }
0x96: {  	[sflag:s28] =	ssyncadd.s32 $0xFFFF8000  }
0x97: {  	_ =	swait.ge [sflag:s29], $0x8000  }
0x98: {  	[sflag:s29] =	ssyncset.done $0x0  }
0x99: {  	[sflag:s29] =	ssyncadd.s32 $0xFFFF8000  }
0x9a: {  	_ =	sfence.sel $0x180000  }
0x9b: {  	[bflag:$0x0] =	sbarrier.arrive $0xFFFF  }
0x9c: {  	p0 =	sne.s32 s1, $0x0;
	_ =	strace $0x90000047  }
0x9d: {  	s0 =	sadd.s32 @!p0 $0x100000, s0;
	[bflag:$0x2] =	sbarrier.arrive $0xFFFF  }
0x9e: {  	[sflag:s0] =	ssyncadd.tile.s32 @!p0 $0x1;
	_ =	shalt  }
.Lfunc_end2:
_tile_overlayer_lowered:
.L_overlay_start_2:
0x9f: {  	(tag) =	ssettag $0x2  }
0xa0: {  	s0 =	rddreg [dreg:$0x0];
	s2 =	stileid.u32  }
0xa1: {  	s1 =	rddreg [dreg:$0x1];
	p0 =	sne.s32 s2, $0x0  }
0xa2: {  	s3 =	rddreg [dreg:$0x2];
	[bflag:$0x3] =	sbarrier.arrive $0xFFFF;
	s2 =	simm.s32 @!p0 $0x1C03  }
0xa3: {  	[timem:s3], [sflag:s2] =	dma.local @!p0 [hbm:s0], s1  }
0xa4: {  	s0 =	simm.s32 @!p0 $0x3  }
0xa5: {  	_ =	swait.ge @!p0 [sflag:s0], s1  }
0xa6: {  	s1 =	ssub.s32 @!p0 $0x0, s1;
	[sflag:s0] =	ssyncset.done @!p0 $0x0  }
0xa7: {  	[sflag:s0] =	ssyncadd.s32 @!p0 s1  }
0xa8: {  	[bflag:$0x3] =	sbarrier.arrive $0xFFFF  }
0xa9: {  	_ =	shalt  }

</sc_bundles>
